<compile_context>
chip_gen: v7x
topology: tpu7x:2x2x1
jax: 0.10.2.dev20260603
libtpu: 0.0.44.dev20260713+nightly
codegen_flags: <defaults>
</compile_context>

<pallas_src>
import functools

import jax
import jax.numpy as jnp
from jax import lax
from jax.experimental import pallas as pl
from jax.experimental.pallas import tpu as pltpu
from jax.experimental.pallas import tpu_sc as plsc

N_NODES = 10000
N_EDGES = 320000
CH = 128

NC = 2
NS = 16
NW = NC * NS
K = 80
CHUNKS = 125
EPW = CHUNKS * K
E_PAD = NW * EPW
NBUF = 4
N_PAD = 10240
RPT = N_PAD // NS


def _sc_aggregate(x, eflat):
    mesh = plsc.VectorSubcoreMesh(core_axis_name="c", subcore_axis_name="s")

    @functools.partial(
        pl.kernel,
        mesh=mesh,
        out_type=jax.ShapeDtypeStruct((NC, N_PAD, CH), jnp.float32),
        scratch_types=[
            pltpu.VMEM((NBUF, K), jnp.int32),
            pltpu.VMEM((NBUF, K), jnp.int32),
            pltpu.VMEM((K, CH), jnp.float32),
            pltpu.VMEM((K, CH), jnp.float32),
            pltpu.VMEM((K, CH), jnp.float32),
            pltpu.VMEM((K, CH), jnp.float32),
            pltpu.VMEM_SHARED((N_PAD, CH), jnp.float32),
            pltpu.SemaphoreType.DMA,
            pltpu.SemaphoreType.DMA,
            pltpu.SemaphoreType.DMA,
            pltpu.SemaphoreType.DMA,
            pltpu.SemaphoreType.DMA,
            pltpu.SemaphoreType.DMA,
            pltpu.SemaphoreType.DMA,
            pltpu.SemaphoreType.DMA,
        ],
    )
    def agg_kernel(x_hbm, e_hbm, out_hbm,
                   cbufs, rbufs, gbuf0, gbuf1, gbuf2, gbuf3, acc,
                   si0, si1, si2, si3, sg0, sg1, sg2, sg3):
        c = lax.axis_index("c")
        s = lax.axis_index("s")
        wid = c * NS + s
        base = wid * EPW

        gbuf = (gbuf0, gbuf1, gbuf2, gbuf3)
        sem_i = (si0, si1, si2, si3)
        sem_g = (sg0, sg1, sg2, sg3)

        def _off(k):
            return jnp.minimum(base + k * K, E_PAD - K)

        def issue_idx(k, b):
            off = _off(k)
            pltpu.async_copy(e_hbm.at[pl.ds(E_PAD + off, K)], cbufs.at[b],
                             sem_i[b])
            pltpu.async_copy(e_hbm.at[pl.ds(off, K)], rbufs.at[b], sem_i[b])

        def wait_idx(k, b):
            off = _off(k)
            pltpu.make_async_copy(e_hbm.at[pl.ds(E_PAD + off, K)],
                                  cbufs.at[b], sem_i[b]).wait()
            pltpu.make_async_copy(e_hbm.at[pl.ds(off, K)], rbufs.at[b],
                                  sem_i[b]).wait()

        def issue_gather(b):
            pltpu.async_copy(x_hbm.at[cbufs.at[b]], gbuf[b], sem_g[b])

        def wait_gather(b):
            pltpu.make_async_copy(x_hbm.at[cbufs.at[b]], gbuf[b],
                                  sem_g[b]).wait()

        issue_idx(0, 0)
        issue_idx(1, 1)
        zv = jnp.zeros((16,), jnp.float32)

        def zrow(i, carry):
            for j in range(CH // 16):
                gbuf0[i, pl.ds(j * 16, 16)] = zv
            return carry

        lax.fori_loop(0, K, zrow, 0)
        for t in range(RPT // K):
            pltpu.sync_copy(gbuf0, acc.at[pl.ds(s * RPT + t * K, K)])
        wait_idx(0, 0)
        issue_gather(0)
        wait_idx(1, 1)
        issue_gather(1)
        issue_idx(2, 2)
        issue_idx(3, 3)
        wait_idx(2, 2)
        issue_gather(2)
        plsc.subcore_barrier()

        def scatter(b):
            pltpu.sync_copy(gbuf[b], acc.at[rbufs.at[b]], add=True)

        def half(k, b):
            b2 = (b + 3) % NBUF
            wait_idx(k + 3, b2)
            issue_gather(b2)
            wait_gather(b)
            scatter(b)
            issue_idx(k + 4, b)

        def body(g, carry):
            half(g * 4, 0)
            half(g * 4 + 1, 1)
            half(g * 4 + 2, 2)
            half(g * 4 + 3, 3)
            return carry

        lax.fori_loop(0, (CHUNKS - 5) // 4, body, 0)
        half(CHUNKS - 5, (CHUNKS - 5) % NBUF)
        half(CHUNKS - 4, (CHUNKS - 4) % NBUF)
        wait_gather((CHUNKS - 3) % NBUF)
        scatter((CHUNKS - 3) % NBUF)
        wait_gather((CHUNKS - 2) % NBUF)
        scatter((CHUNKS - 2) % NBUF)
        wait_gather((CHUNKS - 1) % NBUF)
        scatter((CHUNKS - 1) % NBUF)
        wait_idx(CHUNKS, CHUNKS % NBUF)

        plsc.subcore_barrier()
        pltpu.sync_copy(acc.at[pl.ds(s * RPT, RPT)],
                        out_hbm.at[c, pl.ds(s * RPT, RPT)])

    return agg_kernel(x, eflat)


ROWS_BLK = 2000


def _mm_body(p_ref, w_ref, o_ref):
    acc = p_ref[0] + p_ref[1]
    o_ref[...] = lax.dot_general(
        acc, w_ref[...], (((1,), (1,)), ((), ())),
        preferred_element_type=jnp.float32)


def _tc_matmul(partials, W_fc):
    return pl.pallas_call(
        _mm_body,
        grid=(N_NODES // ROWS_BLK,),
        in_specs=[
            pl.BlockSpec((NC, ROWS_BLK, CH), lambda i: (0, i, 0)),
            pl.BlockSpec((CH, CH), lambda i: (0, 0)),
        ],
        out_specs=pl.BlockSpec((ROWS_BLK, CH), lambda i: (i, 0)),
        out_shape=jax.ShapeDtypeStruct((N_NODES, CH), jnp.float32),
    )(partials, W_fc)


def kernel(x, edge_index, edge_attr, W_fc, W_edge, W_att):
    del edge_attr, W_edge, W_att
    eflat = edge_index.astype(jnp.int32).reshape(-1)
    partials = _sc_aggregate(x, eflat)
    return _tc_matmul(partials, W_fc)

# --- scband reference (transcript-rebuilt; emitter-appended) ---
"""Pipeline reference for scband-ginet-conv-layer-4836133175445 (READ-ONLY COPY).

The authoritative reference and input builder live on the scoring server;
editing this copy changes nothing except your own understanding.
"""

import jax, jax.numpy as jnp
import numpy as np

N_NODES = 10000
N_EDGES = 320000
IN_CH = 128
OUT_CH = 128
D_EDGE = 4


def setup_inputs(seed: int = 0) -> dict:
    key = jax.random.key(seed)
    k1, k2, k3, k4, k5, k6 = jax.random.split(key, 6)
    x = jax.random.normal(k1, (N_NODES, IN_CH), dtype=jnp.float32)
    edge_index = jax.random.randint(k2, (2, N_EDGES), 0, N_NODES, dtype=jnp.int64)
    edge_attr = jax.random.normal(k3, (N_EDGES, D_EDGE), dtype=jnp.float32)
    # learned parameters (torch nn.Linear weights, bias=False); uniform init ~ U(-1/sqrt(size), 1/sqrt(size))
    bound = 1.0 / np.sqrt(IN_CH)
    W_fc = jax.random.uniform(k4, (OUT_CH, IN_CH), minval=-bound, maxval=bound, dtype=jnp.float32)
    W_edge = jax.random.uniform(k5, (D_EDGE, D_EDGE), minval=-bound, maxval=bound, dtype=jnp.float32)
    W_att = jax.random.uniform(k6, (1, 2 * OUT_CH + D_EDGE), minval=-bound, maxval=bound, dtype=jnp.float32)
    return {"x": x, "edge_index": edge_index, "edge_attr": edge_attr, "W_fc": W_fc, "W_edge": W_edge, "W_att": W_att}


def reference(x, edge_index, edge_attr, W_fc, W_edge, W_att):
    row = edge_index[0]
    col = edge_index[1]
    num_node = x.shape[0]
    if edge_attr.ndim == 1:
        edge_attr = edge_attr[:, None]
    xcol = x[col] @ W_fc.T                      # gather + matmul
    xrow = x[row] @ W_fc.T                      # gather + matmul
    ed = edge_attr @ W_edge.T
    alpha = jnp.concatenate([xrow, xcol, ed], axis=1) @ W_att.T  # [E, 1]
    alpha = jax.nn.leaky_relu(alpha, negative_slope=0.01)
    alpha = jax.nn.softmax(alpha, axis=1)       # softmax over size-1 dim (faithful to torch code)
    h = alpha * xcol
    out = jnp.zeros((num_node, OUT_CH), dtype=h.dtype).at[row].add(h)  # scatter-add
    return out

if __name__ == "__main__":
    import jax
    _d = setup_inputs()
    print(jax.jit(kernel)(*tuple(_d.values())))

</pallas_src>

<mosaic_0001>
#map = affine_map<(d0, d1) -> (0, 0)>
#map1 = affine_map<(d0, d1) -> (0)>
#map2 = affine_map<(d0, d1) -> (0, 0, 0)>
module attributes {stable_mosaic.version = 14 : i64} {
  func.func @agg_kernel(%arg0: i32, %arg1: i32, %arg2: memref<10000x128xf32, #tpu.memory_space<hbm>>, %arg3: memref<640000xi32, #tpu.memory_space<hbm>>, %arg4: memref<2x10240x128xf32, #tpu.memory_space<hbm>>, %arg5: memref<4x80xi32, #tpu.memory_space<vmem>>, %arg6: memref<4x80xi32, #tpu.memory_space<vmem>>, %arg7: memref<80x128xf32, #tpu.memory_space<vmem>>, %arg8: memref<80x128xf32, #tpu.memory_space<vmem>>, %arg9: memref<80x128xf32, #tpu.memory_space<vmem>>, %arg10: memref<80x128xf32, #tpu.memory_space<vmem>>, %arg11: memref<10240x128xf32, #tpu.memory_space<vmem_shared>>, %arg12: memref<!tpu.dma_semaphore, #tpu.memory_space<semaphore_mem>>, %arg13: memref<!tpu.dma_semaphore, #tpu.memory_space<semaphore_mem>>, %arg14: memref<!tpu.dma_semaphore, #tpu.memory_space<semaphore_mem>>, %arg15: memref<!tpu.dma_semaphore, #tpu.memory_space<semaphore_mem>>, %arg16: memref<!tpu.dma_semaphore, #tpu.memory_space<semaphore_mem>>, %arg17: memref<!tpu.dma_semaphore, #tpu.memory_space<semaphore_mem>>, %arg18: memref<!tpu.dma_semaphore, #tpu.memory_space<semaphore_mem>>, %arg19: memref<!tpu.dma_semaphore, #tpu.memory_space<semaphore_mem>>) attributes {dimension_semantics = [#tpu.dimension_semantics<core_parallel>, #tpu.dimension_semantics<subcore_parallel>], iteration_bounds = array<i64: 2, 16>, scalar_prefetch = 0 : i64, scratch_operands = 15 : i64, tpu.core_type = #tpu.core_type<sc_vector_subcore>, window_params = [{transform_indices = #map}, {transform_indices = #map1}, {transform_indices = #map2}]} {
    %mul3A = arith.constant 16 : i32
    %mul3A_0 = arith.muli %arg0, %mul3A : i32
    %add3A = arith.addi %mul3A_0, %arg1 : i32
    %mul3A_1 = arith.constant 10000 : i32
    %mul3A_2 = arith.muli %add3A, %mul3A_1 : i32
    %add3A_3 = arith.constant 0 : i32
    %add3A_4 = arith.addi %mul3A_2, %add3A_3 : i32
    %min3A = arith.constant 319920 : i32
    %min3A_5 = arith.minsi %add3A_4, %min3A : i32
    %add3A_6 = arith.constant 320000 : i32
    %add3A_7 = arith.addi %add3A_6, %min3A_5 : i32
    %dma_start3A = arith.constant 0 : i32
    %dma_start3A_8 = arith.constant 0 : i32
    %dma_start3A_9 = tpu.memref_slice %arg5[%dma_start3A, %dma_start3A_8] : memref<4x80xi32, #tpu.memory_space<vmem>> -> memref<1x80xi32, #tpu.memory_space<vmem>>
    %dma_start3A_10 = tpu.memref_squeeze %dma_start3A_9 : memref<1x80xi32, #tpu.memory_space<vmem>> -> memref<80xi32, #tpu.memory_space<vmem>>
    %dma_start3A_11 = tpu.memref_slice %arg3[%add3A_7] : memref<640000xi32, #tpu.memory_space<hbm>> -> memref<80xi32, #tpu.memory_space<hbm>>
    %dma_start3A_12 = arith.constant 0 : i32
    %dma_start3A_13 = tpu.memref_slice %arg5[%dma_start3A, %dma_start3A_12] : memref<4x80xi32, #tpu.memory_space<vmem>> -> memref<1x80xi32, #tpu.memory_space<vmem>>
    %dma_start3A_14 = tpu.memref_squeeze %dma_start3A_13 : memref<1x80xi32, #tpu.memory_space<vmem>> -> memref<80xi32, #tpu.memory_space<vmem>>
    %dma_start3A_15 = tpu.memref_slice %arg3[%add3A_7] : memref<640000xi32, #tpu.memory_space<hbm>> -> memref<80xi32, #tpu.memory_space<hbm>>
    tpu.enqueue_dma source(%dma_start3A_15 : memref<80xi32, #tpu.memory_space<hbm>>) target(%dma_start3A_14 : memref<80xi32, #tpu.memory_space<vmem>>) target_semaphore(%arg12 : memref<!tpu.dma_semaphore, #tpu.memory_space<semaphore_mem>>)
    %dma_start3A_16 = arith.constant 0 : i32
    %dma_start3A_17 = arith.constant 0 : i32
    %dma_start3A_18 = tpu.memref_slice %arg6[%dma_start3A_16, %dma_start3A_17] : memref<4x80xi32, #tpu.memory_space<vmem>> -> memref<1x80xi32, #tpu.memory_space<vmem>>
    %dma_start3A_19 = tpu.memref_squeeze %dma_start3A_18 : memref<1x80xi32, #tpu.memory_space<vmem>> -> memref<80xi32, #tpu.memory_space<vmem>>
    %dma_start3A_20 = tpu.memref_slice %arg3[%min3A_5] : memref<640000xi32, #tpu.memory_space<hbm>> -> memref<80xi32, #tpu.memory_space<hbm>>
    %dma_start3A_21 = arith.constant 0 : i32
    %dma_start3A_22 = tpu.memref_slice %arg6[%dma_start3A_16, %dma_start3A_21] : memref<4x80xi32, #tpu.memory_space<vmem>> -> memref<1x80xi32, #tpu.memory_space<vmem>>
    %dma_start3A_23 = tpu.memref_squeeze %dma_start3A_22 : memref<1x80xi32, #tpu.memory_space<vmem>> -> memref<80xi32, #tpu.memory_space<vmem>>
    %dma_start3A_24 = tpu.memref_slice %arg3[%min3A_5] : memref<640000xi32, #tpu.memory_space<hbm>> -> memref<80xi32, #tpu.memory_space<hbm>>
    tpu.enqueue_dma source(%dma_start3A_24 : memref<80xi32, #tpu.memory_space<hbm>>) target(%dma_start3A_23 : memref<80xi32, #tpu.memory_space<vmem>>) target_semaphore(%arg12 : memref<!tpu.dma_semaphore, #tpu.memory_space<semaphore_mem>>)
    %add3A_25 = arith.constant 80 : i32
    %add3A_26 = arith.addi %mul3A_2, %add3A_25 : i32
    %min3A_27 = arith.constant 319920 : i32
    %min3A_28 = arith.minsi %add3A_26, %min3A_27 : i32
    %add3A_29 = arith.constant 320000 : i32
    %add3A_30 = arith.addi %add3A_29, %min3A_28 : i32
    %dma_start3A_31 = arith.constant 1 : i32
    %dma_start3A_32 = arith.constant 0 : i32
    %dma_start3A_33 = tpu.memref_slice %arg5[%dma_start3A_31, %dma_start3A_32] : memref<4x80xi32, #tpu.memory_space<vmem>> -> memref<1x80xi32, #tpu.memory_space<vmem>>
    %dma_start3A_34 = tpu.memref_squeeze %dma_start3A_33 : memref<1x80xi32, #tpu.memory_space<vmem>> -> memref<80xi32, #tpu.memory_space<vmem>>
    %dma_start3A_35 = tpu.memref_slice %arg3[%add3A_30] : memref<640000xi32, #tpu.memory_space<hbm>> -> memref<80xi32, #tpu.memory_space<hbm>>
    %dma_start3A_36 = arith.constant 0 : i32
    %dma_start3A_37 = tpu.memref_slice %arg5[%dma_start3A_31, %dma_start3A_36] : memref<4x80xi32, #tpu.memory_space<vmem>> -> memref<1x80xi32, #tpu.memory_space<vmem>>
    %dma_start3A_38 = tpu.memref_squeeze %dma_start3A_37 : memref<1x80xi32, #tpu.memory_space<vmem>> -> memref<80xi32, #tpu.memory_space<vmem>>
    %dma_start3A_39 = tpu.memref_slice %arg3[%add3A_30] : memref<640000xi32, #tpu.memory_space<hbm>> -> memref<80xi32, #tpu.memory_space<hbm>>
    tpu.enqueue_dma source(%dma_start3A_39 : memref<80xi32, #tpu.memory_space<hbm>>) target(%dma_start3A_38 : memref<80xi32, #tpu.memory_space<vmem>>) target_semaphore(%arg13 : memref<!tpu.dma_semaphore, #tpu.memory_space<semaphore_mem>>)
    %dma_start3A_40 = arith.constant 1 : i32
    %dma_start3A_41 = arith.constant 0 : i32
    %dma_start3A_42 = tpu.memref_slice %arg6[%dma_start3A_40, %dma_start3A_41] : memref<4x80xi32, #tpu.memory_space<vmem>> -> memref<1x80xi32, #tpu.memory_space<vmem>>
    %dma_start3A_43 = tpu.memref_squeeze %dma_start3A_42 : memref<1x80xi32, #tpu.memory_space<vmem>> -> memref<80xi32, #tpu.memory_space<vmem>>
    %dma_start3A_44 = tpu.memref_slice %arg3[%min3A_28] : memref<640000xi32, #tpu.memory_space<hbm>> -> memref<80xi32, #tpu.memory_space<hbm>>
    %dma_start3A_45 = arith.constant 0 : i32
    %dma_start3A_46 = tpu.memref_slice %arg6[%dma_start3A_40, %dma_start3A_45] : memref<4x80xi32, #tpu.memory_space<vmem>> -> memref<1x80xi32, #tpu.memory_space<vmem>>
    %dma_start3A_47 = tpu.memref_squeeze %dma_start3A_46 : memref<1x80xi32, #tpu.memory_space<vmem>> -> memref<80xi32, #tpu.memory_space<vmem>>
    %dma_start3A_48 = tpu.memref_slice %arg3[%min3A_28] : memref<640000xi32, #tpu.memory_space<hbm>> -> memref<80xi32, #tpu.memory_space<hbm>>
    tpu.enqueue_dma source(%dma_start3A_48 : memref<80xi32, #tpu.memory_space<hbm>>) target(%dma_start3A_47 : memref<80xi32, #tpu.memory_space<vmem>>) target_semaphore(%arg13 : memref<!tpu.dma_semaphore, #tpu.memory_space<semaphore_mem>>)
    %broadcast_in_dim3A = arith.constant 0.000000e+00 : f32
    %broadcast_in_dim3A_49 = vector.broadcast %broadcast_in_dim3A : f32 to vector<16xf32>
    %scan3A = arith.constant 0 : i32
    %scan3A_50 = arith.constant 0 : i32
    %scan3A_51 = arith.constant 80 : i32
    %scan3A_52 = arith.addi %scan3A_50, %scan3A_51 : i32
    %scan3A_53 = arith.constant 1 : i32
    scf.for %scan3A_411 = %scan3A_50 to %scan3A_52 step %scan3A_53  : i32 {
      %swap3A = arith.index_cast %scan3A_411 : i32 to index
      %swap3A_412 = arith.constant 0 : index
      %swap3A_413 = tpu.vector_load %arg7[%swap3A, %swap3A_412] {strides = array<i32>} : memref<80x128xf32, #tpu.memory_space<vmem>>, vector<1x16xf32>,
      %swap3A_414 = vector.shape_cast %swap3A_413 : vector<1x16xf32> to vector<16xf32>
      %swap3A_415 = vector.shape_cast %broadcast_in_dim3A_49 : vector<16xf32> to vector<1x16xf32>
      tpu.vector_store %arg7[%swap3A, %swap3A_412], %swap3A_415 {strides = array<i32>} : memref<80x128xf32, #tpu.memory_space<vmem>>, vector<1x16xf32>,
      %swap3A_416 = arith.index_cast %scan3A_411 : i32 to index
      %swap3A_417 = arith.constant 16 : index
      %swap3A_418 = tpu.vector_load %arg7[%swap3A_416, %swap3A_417] {strides = array<i32>} : memref<80x128xf32, #tpu.memory_space<vmem>>, vector<1x16xf32>,
      %swap3A_419 = vector.shape_cast %swap3A_418 : vector<1x16xf32> to vector<16xf32>
      %swap3A_420 = vector.shape_cast %broadcast_in_dim3A_49 : vector<16xf32> to vector<1x16xf32>
      tpu.vector_store %arg7[%swap3A_416, %swap3A_417], %swap3A_420 {strides = array<i32>} : memref<80x128xf32, #tpu.memory_space<vmem>>, vector<1x16xf32>,
      %swap3A_421 = arith.index_cast %scan3A_411 : i32 to index
      %swap3A_422 = arith.constant 32 : index
      %swap3A_423 = tpu.vector_load %arg7[%swap3A_421, %swap3A_422] {strides = array<i32>} : memref<80x128xf32, #tpu.memory_space<vmem>>, vector<1x16xf32>,
      %swap3A_424 = vector.shape_cast %swap3A_423 : vector<1x16xf32> to vector<16xf32>
      %swap3A_425 = vector.shape_cast %broadcast_in_dim3A_49 : vector<16xf32> to vector<1x16xf32>
      tpu.vector_store %arg7[%swap3A_421, %swap3A_422], %swap3A_425 {strides = array<i32>} : memref<80x128xf32, #tpu.memory_space<vmem>>, vector<1x16xf32>,
      %swap3A_426 = arith.index_cast %scan3A_411 : i32 to index
      %swap3A_427 = arith.constant 48 : index
      %swap3A_428 = tpu.vector_load %arg7[%swap3A_426, %swap3A_427] {strides = array<i32>} : memref<80x128xf32, #tpu.memory_space<vmem>>, vector<1x16xf32>,
      %swap3A_429 = vector.shape_cast %swap3A_428 : vector<1x16xf32> to vector<16xf32>
      %swap3A_430 = vector.shape_cast %broadcast_in_dim3A_49 : vector<16xf32> to vector<1x16xf32>
      tpu.vector_store %arg7[%swap3A_426, %swap3A_427], %swap3A_430 {strides = array<i32>} : memref<80x128xf32, #tpu.memory_space<vmem>>, vector<1x16xf32>,
      %swap3A_431 = arith.index_cast %scan3A_411 : i32 to index
      %swap3A_432 = arith.constant 64 : index
      %swap3A_433 = tpu.vector_load %arg7[%swap3A_431, %swap3A_432] {strides = array<i32>} : memref<80x128xf32, #tpu.memory_space<vmem>>, vector<1x16xf32>,
      %swap3A_434 = vector.shape_cast %swap3A_433 : vector<1x16xf32> to vector<16xf32>
      %swap3A_435 = vector.shape_cast %broadcast_in_dim3A_49 : vector<16xf32> to vector<1x16xf32>
      tpu.vector_store %arg7[%swap3A_431, %swap3A_432], %swap3A_435 {strides = array<i32>} : memref<80x128xf32, #tpu.memory_space<vmem>>, vector<1x16xf32>,
      %swap3A_436 = arith.index_cast %scan3A_411 : i32 to index
      %swap3A_437 = arith.constant 80 : index
      %swap3A_438 = tpu.vector_load %arg7[%swap3A_436, %swap3A_437] {strides = array<i32>} : memref<80x128xf32, #tpu.memory_space<vmem>>, vector<1x16xf32>,
      %swap3A_439 = vector.shape_cast %swap3A_438 : vector<1x16xf32> to vector<16xf32>
      %swap3A_440 = vector.shape_cast %broadcast_in_dim3A_49 : vector<16xf32> to vector<1x16xf32>
      tpu.vector_store %arg7[%swap3A_436, %swap3A_437], %swap3A_440 {strides = array<i32>} : memref<80x128xf32, #tpu.memory_space<vmem>>, vector<1x16xf32>,
      %swap3A_441 = arith.index_cast %scan3A_411 : i32 to index
      %swap3A_442 = arith.constant 96 : index
      %swap3A_443 = tpu.vector_load %arg7[%swap3A_441, %swap3A_442] {strides = array<i32>} : memref<80x128xf32, #tpu.memory_space<vmem>>, vector<1x16xf32>,
      %swap3A_444 = vector.shape_cast %swap3A_443 : vector<1x16xf32> to vector<16xf32>
      %swap3A_445 = vector.shape_cast %broadcast_in_dim3A_49 : vector<16xf32> to vector<1x16xf32>
      tpu.vector_store %arg7[%swap3A_441, %swap3A_442], %swap3A_445 {strides = array<i32>} : memref<80x128xf32, #tpu.memory_space<vmem>>, vector<1x16xf32>,
      %swap3A_446 = arith.index_cast %scan3A_411 : i32 to index
      %swap3A_447 = arith.constant 112 : index
      %swap3A_448 = tpu.vector_load %arg7[%swap3A_446, %swap3A_447] {strides = array<i32>} : memref<80x128xf32, #tpu.memory_space<vmem>>, vector<1x16xf32>,
      %swap3A_449 = vector.shape_cast %swap3A_448 : vector<1x16xf32> to vector<16xf32>
      %swap3A_450 = vector.shape_cast %broadcast_in_dim3A_49 : vector<16xf32> to vector<1x16xf32>
      tpu.vector_store %arg7[%swap3A_446, %swap3A_447], %swap3A_450 {strides = array<i32>} : memref<80x128xf32, #tpu.memory_space<vmem>>, vector<1x16xf32>,
    }
    %scan3A_54 = arith.constant 80 : i32
    %mul3A_55 = arith.constant 640 : i32
    %mul3A_56 = arith.muli %arg1, %mul3A_55 : i32
    %add3A_57 = arith.constant 0 : i32
    %add3A_58 = arith.addi %mul3A_56, %add3A_57 : i32
    "tpu.region"() ({
      %run_scoped3A_411 = tpu.sem_alloc : memref<!tpu.dma_semaphore, #tpu.memory_space<semaphore_mem>>
      %dma_start3A_412 = arith.constant 0 : i32
      %dma_start3A_413 = tpu.memref_slice %arg11[%add3A_58, %dma_start3A_412] : memref<10240x128xf32, #tpu.memory_space<vmem_shared>> -> memref<80x128xf32, #tpu.memory_space<vmem_shared>>
      %dma_start3A_414 = arith.constant 0 : i32
      %dma_start3A_415 = tpu.memref_slice %arg11[%add3A_58, %dma_start3A_414] : memref<10240x128xf32, #tpu.memory_space<vmem_shared>> -> memref<80x128xf32, #tpu.memory_space<vmem_shared>>
      tpu.enqueue_dma source(%arg7 : memref<80x128xf32, #tpu.memory_space<vmem>>) target(%dma_start3A_415 : memref<80x128xf32, #tpu.memory_space<vmem_shared>>) target_semaphore(%run_scoped3A_411 : memref<!tpu.dma_semaphore, #tpu.memory_space<semaphore_mem>>)
      %dma_wait3A_416 = arith.constant 0 : i32
      %dma_wait3A_417 = tpu.memref_slice %arg11[%add3A_58, %dma_wait3A_416] : memref<10240x128xf32, #tpu.memory_space<vmem_shared>> -> memref<80x128xf32, #tpu.memory_space<vmem_shared>>
      %dma_wait3A_418 = arith.constant 0 : i32
      %dma_wait3A_419 = tpu.memref_slice %arg11[%add3A_58, %dma_wait3A_418] : memref<10240x128xf32, #tpu.memory_space<vmem_shared>> -> memref<80x128xf32, #tpu.memory_space<vmem_shared>>
      tpu.wait_dma2 semaphore(%run_scoped3A_411 : memref<!tpu.dma_semaphore, #tpu.memory_space<semaphore_mem>>) src(%arg7 : memref<80x128xf32, #tpu.memory_space<vmem>>) dst(%dma_wait3A_419 : memref<80x128xf32, #tpu.memory_space<vmem_shared>>)
      tpu.yield
    }) : () -> ()
    %mul3A_59 = arith.constant 640 : i32
    %mul3A_60 = arith.muli %arg1, %mul3A_59 : i32
    %add3A_61 = arith.constant 80 : i32
    %add3A_62 = arith.addi %mul3A_60, %add3A_61 : i32
    "tpu.region"() ({
      %run_scoped3A_411 = tpu.sem_alloc : memref<!tpu.dma_semaphore, #tpu.memory_space<semaphore_mem>>
      %dma_start3A_412 = arith.constant 0 : i32
      %dma_start3A_413 = tpu.memref_slice %arg11[%add3A_62, %dma_start3A_412] : memref<10240x128xf32, #tpu.memory_space<vmem_shared>> -> memref<80x128xf32, #tpu.memory_space<vmem_shared>>
      %dma_start3A_414 = arith.constant 0 : i32
      %dma_start3A_415 = tpu.memref_slice %arg11[%add3A_62, %dma_start3A_414] : memref<10240x128xf32, #tpu.memory_space<vmem_shared>> -> memref<80x128xf32, #tpu.memory_space<vmem_shared>>
      tpu.enqueue_dma source(%arg7 : memref<80x128xf32, #tpu.memory_space<vmem>>) target(%dma_start3A_415 : memref<80x128xf32, #tpu.memory_space<vmem_shared>>) target_semaphore(%run_scoped3A_411 : memref<!tpu.dma_semaphore, #tpu.memory_space<semaphore_mem>>)
      %dma_wait3A_416 = arith.constant 0 : i32
      %dma_wait3A_417 = tpu.memref_slice %arg11[%add3A_62, %dma_wait3A_416] : memref<10240x128xf32, #tpu.memory_space<vmem_shared>> -> memref<80x128xf32, #tpu.memory_space<vmem_shared>>
      %dma_wait3A_418 = arith.constant 0 : i32
      %dma_wait3A_419 = tpu.memref_slice %arg11[%add3A_62, %dma_wait3A_418] : memref<10240x128xf32, #tpu.memory_space<vmem_shared>> -> memref<80x128xf32, #tpu.memory_space<vmem_shared>>
      tpu.wait_dma2 semaphore(%run_scoped3A_411 : memref<!tpu.dma_semaphore, #tpu.memory_space<semaphore_mem>>) src(%arg7 : memref<80x128xf32, #tpu.memory_space<vmem>>) dst(%dma_wait3A_419 : memref<80x128xf32, #tpu.memory_space<vmem_shared>>)
      tpu.yield
    }) : () -> ()
    %mul3A_63 = arith.constant 640 : i32
    %mul3A_64 = arith.muli %arg1, %mul3A_63 : i32
    %add3A_65 = arith.constant 160 : i32
    %add3A_66 = arith.addi %mul3A_64, %add3A_65 : i32
    "tpu.region"() ({
      %run_scoped3A_411 = tpu.sem_alloc : memref<!tpu.dma_semaphore, #tpu.memory_space<semaphore_mem>>
      %dma_start3A_412 = arith.constant 0 : i32
      %dma_start3A_413 = tpu.memref_slice %arg11[%add3A_66, %dma_start3A_412] : memref<10240x128xf32, #tpu.memory_space<vmem_shared>> -> memref<80x128xf32, #tpu.memory_space<vmem_shared>>
      %dma_start3A_414 = arith.constant 0 : i32
      %dma_start3A_415 = tpu.memref_slice %arg11[%add3A_66, %dma_start3A_414] : memref<10240x128xf32, #tpu.memory_space<vmem_shared>> -> memref<80x128xf32, #tpu.memory_space<vmem_shared>>
      tpu.enqueue_dma source(%arg7 : memref<80x128xf32, #tpu.memory_space<vmem>>) target(%dma_start3A_415 : memref<80x128xf32, #tpu.memory_space<vmem_shared>>) target_semaphore(%run_scoped3A_411 : memref<!tpu.dma_semaphore, #tpu.memory_space<semaphore_mem>>)
      %dma_wait3A_416 = arith.constant 0 : i32
      %dma_wait3A_417 = tpu.memref_slice %arg11[%add3A_66, %dma_wait3A_416] : memref<10240x128xf32, #tpu.memory_space<vmem_shared>> -> memref<80x128xf32, #tpu.memory_space<vmem_shared>>
      %dma_wait3A_418 = arith.constant 0 : i32
      %dma_wait3A_419 = tpu.memref_slice %arg11[%add3A_66, %dma_wait3A_418] : memref<10240x128xf32, #tpu.memory_space<vmem_shared>> -> memref<80x128xf32, #tpu.memory_space<vmem_shared>>
      tpu.wait_dma2 semaphore(%run_scoped3A_411 : memref<!tpu.dma_semaphore, #tpu.memory_space<semaphore_mem>>) src(%arg7 : memref<80x128xf32, #tpu.memory_space<vmem>>) dst(%dma_wait3A_419 : memref<80x128xf32, #tpu.memory_space<vmem_shared>>)
      tpu.yield
    }) : () -> ()
    %mul3A_67 = arith.constant 640 : i32
    %mul3A_68 = arith.muli %arg1, %mul3A_67 : i32
    %add3A_69 = arith.constant 240 : i32
    %add3A_70 = arith.addi %mul3A_68, %add3A_69 : i32
    "tpu.region"() ({
      %run_scoped3A_411 = tpu.sem_alloc : memref<!tpu.dma_semaphore, #tpu.memory_space<semaphore_mem>>
      %dma_start3A_412 = arith.constant 0 : i32
      %dma_start3A_413 = tpu.memref_slice %arg11[%add3A_70, %dma_start3A_412] : memref<10240x128xf32, #tpu.memory_space<vmem_shared>> -> memref<80x128xf32, #tpu.memory_space<vmem_shared>>
      %dma_start3A_414 = arith.constant 0 : i32
      %dma_start3A_415 = tpu.memref_slice %arg11[%add3A_70, %dma_start3A_414] : memref<10240x128xf32, #tpu.memory_space<vmem_shared>> -> memref<80x128xf32, #tpu.memory_space<vmem_shared>>
      tpu.enqueue_dma source(%arg7 : memref<80x128xf32, #tpu.memory_space<vmem>>) target(%dma_start3A_415 : memref<80x128xf32, #tpu.memory_space<vmem_shared>>) target_semaphore(%run_scoped3A_411 : memref<!tpu.dma_semaphore, #tpu.memory_space<semaphore_mem>>)
      %dma_wait3A_416 = arith.constant 0 : i32
      %dma_wait3A_417 = tpu.memref_slice %arg11[%add3A_70, %dma_wait3A_416] : memref<10240x128xf32, #tpu.memory_space<vmem_shared>> -> memref<80x128xf32, #tpu.memory_space<vmem_shared>>
      %dma_wait3A_418 = arith.constant 0 : i32
      %dma_wait3A_419 = tpu.memref_slice %arg11[%add3A_70, %dma_wait3A_418] : memref<10240x128xf32, #tpu.memory_space<vmem_shared>> -> memref<80x128xf32, #tpu.memory_space<vmem_shared>>
      tpu.wait_dma2 semaphore(%run_scoped3A_411 : memref<!tpu.dma_semaphore, #tpu.memory_space<semaphore_mem>>) src(%arg7 : memref<80x128xf32, #tpu.memory_space<vmem>>) dst(%dma_wait3A_419 : memref<80x128xf32, #tpu.memory_space<vmem_shared>>)
      tpu.yield
    }) : () -> ()
    %mul3A_71 = arith.constant 640 : i32
    %mul3A_72 = arith.muli %arg1, %mul3A_71 : i32
    %add3A_73 = arith.constant 320 : i32
    %add3A_74 = arith.addi %mul3A_72, %add3A_73 : i32
    "tpu.region"() ({
      %run_scoped3A_411 = tpu.sem_alloc : memref<!tpu.dma_semaphore, #tpu.memory_space<semaphore_mem>>
      %dma_start3A_412 = arith.constant 0 : i32
      %dma_start3A_413 = tpu.memref_slice %arg11[%add3A_74, %dma_start3A_412] : memref<10240x128xf32, #tpu.memory_space<vmem_shared>> -> memref<80x128xf32, #tpu.memory_space<vmem_shared>>
      %dma_start3A_414 = arith.constant 0 : i32
      %dma_start3A_415 = tpu.memref_slice %arg11[%add3A_74, %dma_start3A_414] : memref<10240x128xf32, #tpu.memory_space<vmem_shared>> -> memref<80x128xf32, #tpu.memory_space<vmem_shared>>
      tpu.enqueue_dma source(%arg7 : memref<80x128xf32, #tpu.memory_space<vmem>>) target(%dma_start3A_415 : memref<80x128xf32, #tpu.memory_space<vmem_shared>>) target_semaphore(%run_scoped3A_411 : memref<!tpu.dma_semaphore, #tpu.memory_space<semaphore_mem>>)
      %dma_wait3A_416 = arith.constant 0 : i32
      %dma_wait3A_417 = tpu.memref_slice %arg11[%add3A_74, %dma_wait3A_416] : memref<10240x128xf32, #tpu.memory_space<vmem_shared>> -> memref<80x128xf32, #tpu.memory_space<vmem_shared>>
      %dma_wait3A_418 = arith.constant 0 : i32
      %dma_wait3A_419 = tpu.memref_slice %arg11[%add3A_74, %dma_wait3A_418] : memref<10240x128xf32, #tpu.memory_space<vmem_shared>> -> memref<80x128xf32, #tpu.memory_space<vmem_shared>>
      tpu.wait_dma2 semaphore(%run_scoped3A_411 : memref<!tpu.dma_semaphore, #tpu.memory_space<semaphore_mem>>) src(%arg7 : memref<80x128xf32, #tpu.memory_space<vmem>>) dst(%dma_wait3A_419 : memref<80x128xf32, #tpu.memory_space<vmem_shared>>)
      tpu.yield
    }) : () -> ()
    %mul3A_75 = arith.constant 640 : i32
    %mul3A_76 = arith.muli %arg1, %mul3A_75 : i32
    %add3A_77 = arith.constant 400 : i32
    %add3A_78 = arith.addi %mul3A_76, %add3A_77 : i32
    "tpu.region"() ({
      %run_scoped3A_411 = tpu.sem_alloc : memref<!tpu.dma_semaphore, #tpu.memory_space<semaphore_mem>>
      %dma_start3A_412 = arith.constant 0 : i32
      %dma_start3A_413 = tpu.memref_slice %arg11[%add3A_78, %dma_start3A_412] : memref<10240x128xf32, #tpu.memory_space<vmem_shared>> -> memref<80x128xf32, #tpu.memory_space<vmem_shared>>
      %dma_start3A_414 = arith.constant 0 : i32
      %dma_start3A_415 = tpu.memref_slice %arg11[%add3A_78, %dma_start3A_414] : memref<10240x128xf32, #tpu.memory_space<vmem_shared>> -> memref<80x128xf32, #tpu.memory_space<vmem_shared>>
      tpu.enqueue_dma source(%arg7 : memref<80x128xf32, #tpu.memory_space<vmem>>) target(%dma_start3A_415 : memref<80x128xf32, #tpu.memory_space<vmem_shared>>) target_semaphore(%run_scoped3A_411 : memref<!tpu.dma_semaphore, #tpu.memory_space<semaphore_mem>>)
      %dma_wait3A_416 = arith.constant 0 : i32
      %dma_wait3A_417 = tpu.memref_slice %arg11[%add3A_78, %dma_wait3A_416] : memref<10240x128xf32, #tpu.memory_space<vmem_shared>> -> memref<80x128xf32, #tpu.memory_space<vmem_shared>>
      %dma_wait3A_418 = arith.constant 0 : i32
      %dma_wait3A_419 = tpu.memref_slice %arg11[%add3A_78, %dma_wait3A_418] : memref<10240x128xf32, #tpu.memory_space<vmem_shared>> -> memref<80x128xf32, #tpu.memory_space<vmem_shared>>
      tpu.wait_dma2 semaphore(%run_scoped3A_411 : memref<!tpu.dma_semaphore, #tpu.memory_space<semaphore_mem>>) src(%arg7 : memref<80x128xf32, #tpu.memory_space<vmem>>) dst(%dma_wait3A_419 : memref<80x128xf32, #tpu.memory_space<vmem_shared>>)
      tpu.yield
    }) : () -> ()
    %mul3A_79 = arith.constant 640 : i32
    %mul3A_80 = arith.muli %arg1, %mul3A_79 : i32
    %add3A_81 = arith.constant 480 : i32
    %add3A_82 = arith.addi %mul3A_80, %add3A_81 : i32
    "tpu.region"() ({
      %run_scoped3A_411 = tpu.sem_alloc : memref<!tpu.dma_semaphore, #tpu.memory_space<semaphore_mem>>
      %dma_start3A_412 = arith.constant 0 : i32
      %dma_start3A_413 = tpu.memref_slice %arg11[%add3A_82, %dma_start3A_412] : memref<10240x128xf32, #tpu.memory_space<vmem_shared>> -> memref<80x128xf32, #tpu.memory_space<vmem_shared>>
      %dma_start3A_414 = arith.constant 0 : i32
      %dma_start3A_415 = tpu.memref_slice %arg11[%add3A_82, %dma_start3A_414] : memref<10240x128xf32, #tpu.memory_space<vmem_shared>> -> memref<80x128xf32, #tpu.memory_space<vmem_shared>>
      tpu.enqueue_dma source(%arg7 : memref<80x128xf32, #tpu.memory_space<vmem>>) target(%dma_start3A_415 : memref<80x128xf32, #tpu.memory_space<vmem_shared>>) target_semaphore(%run_scoped3A_411 : memref<!tpu.dma_semaphore, #tpu.memory_space<semaphore_mem>>)
      %dma_wait3A_416 = arith.constant 0 : i32
      %dma_wait3A_417 = tpu.memref_slice %arg11[%add3A_82, %dma_wait3A_416] : memref<10240x128xf32, #tpu.memory_space<vmem_shared>> -> memref<80x128xf32, #tpu.memory_space<vmem_shared>>
      %dma_wait3A_418 = arith.constant 0 : i32
      %dma_wait3A_419 = tpu.memref_slice %arg11[%add3A_82, %dma_wait3A_418] : memref<10240x128xf32, #tpu.memory_space<vmem_shared>> -> memref<80x128xf32, #tpu.memory_space<vmem_shared>>
      tpu.wait_dma2 semaphore(%run_scoped3A_411 : memref<!tpu.dma_semaphore, #tpu.memory_space<semaphore_mem>>) src(%arg7 : memref<80x128xf32, #tpu.memory_space<vmem>>) dst(%dma_wait3A_419 : memref<80x128xf32, #tpu.memory_space<vmem_shared>>)
      tpu.yield
    }) : () -> ()
    %mul3A_83 = arith.constant 640 : i32
    %mul3A_84 = arith.muli %arg1, %mul3A_83 : i32
    %add3A_85 = arith.constant 560 : i32
    %add3A_86 = arith.addi %mul3A_84, %add3A_85 : i32
    "tpu.region"() ({
      %run_scoped3A_411 = tpu.sem_alloc : memref<!tpu.dma_semaphore, #tpu.memory_space<semaphore_mem>>
      %dma_start3A_412 = arith.constant 0 : i32
      %dma_start3A_413 = tpu.memref_slice %arg11[%add3A_86, %dma_start3A_412] : memref<10240x128xf32, #tpu.memory_space<vmem_shared>> -> memref<80x128xf32, #tpu.memory_space<vmem_shared>>
      %dma_start3A_414 = arith.constant 0 : i32
      %dma_start3A_415 = tpu.memref_slice %arg11[%add3A_86, %dma_start3A_414] : memref<10240x128xf32, #tpu.memory_space<vmem_shared>> -> memref<80x128xf32, #tpu.memory_space<vmem_shared>>
      tpu.enqueue_dma source(%arg7 : memref<80x128xf32, #tpu.memory_space<vmem>>) target(%dma_start3A_415 : memref<80x128xf32, #tpu.memory_space<vmem_shared>>) target_semaphore(%run_scoped3A_411 : memref<!tpu.dma_semaphore, #tpu.memory_space<semaphore_mem>>)
      %dma_wait3A_416 = arith.constant 0 : i32
      %dma_wait3A_417 = tpu.memref_slice %arg11[%add3A_86, %dma_wait3A_416] : memref<10240x128xf32, #tpu.memory_space<vmem_shared>> -> memref<80x128xf32, #tpu.memory_space<vmem_shared>>
      %dma_wait3A_418 = arith.constant 0 : i32
      %dma_wait3A_419 = tpu.memref_slice %arg11[%add3A_86, %dma_wait3A_418] : memref<10240x128xf32, #tpu.memory_space<vmem_shared>> -> memref<80x128xf32, #tpu.memory_space<vmem_shared>>
      tpu.wait_dma2 semaphore(%run_scoped3A_411 : memref<!tpu.dma_semaphore, #tpu.memory_space<semaphore_mem>>) src(%arg7 : memref<80x128xf32, #tpu.memory_space<vmem>>) dst(%dma_wait3A_419 : memref<80x128xf32, #tpu.memory_space<vmem_shared>>)
      tpu.yield
    }) : () -> ()
    %add3A_87 = arith.constant 0 : i32
    %add3A_88 = arith.addi %mul3A_2, %add3A_87 : i32
    %min3A_89 = arith.constant 319920 : i32
    %min3A_90 = arith.minsi %add3A_88, %min3A_89 : i32
    %add3A_91 = arith.constant 320000 : i32
    %add3A_92 = arith.addi %add3A_91, %min3A_90 : i32
    %dma_wait3A = arith.constant 0 : i32
    %dma_wait3A_93 = arith.constant 0 : i32
    %dma_wait3A_94 = tpu.memref_slice %arg5[%dma_wait3A, %dma_wait3A_93] : memref<4x80xi32, #tpu.memory_space<vmem>> -> memref<1x80xi32, #tpu.memory_space<vmem>>
    %dma_wait3A_95 = tpu.memref_squeeze %dma_wait3A_94 : memref<1x80xi32, #tpu.memory_space<vmem>> -> memref<80xi32, #tpu.memory_space<vmem>>
    %dma_wait3A_96 = tpu.memref_slice %arg3[%add3A_92] : memref<640000xi32, #tpu.memory_space<hbm>> -> memref<80xi32, #tpu.memory_space<hbm>>
    %dma_wait3A_97 = arith.constant 0 : i32
    %dma_wait3A_98 = tpu.memref_slice %arg5[%dma_wait3A, %dma_wait3A_97] : memref<4x80xi32, #tpu.memory_space<vmem>> -> memref<1x80xi32, #tpu.memory_space<vmem>>
    %dma_wait3A_99 = tpu.memref_squeeze %dma_wait3A_98 : memref<1x80xi32, #tpu.memory_space<vmem>> -> memref<80xi32, #tpu.memory_space<vmem>>
    %dma_wait3A_100 = tpu.memref_slice %arg3[%add3A_92] : memref<640000xi32, #tpu.memory_space<hbm>> -> memref<80xi32, #tpu.memory_space<hbm>>
    tpu.wait_dma2 semaphore(%arg12 : memref<!tpu.dma_semaphore, #tpu.memory_space<semaphore_mem>>) src(%dma_wait3A_100 : memref<80xi32, #tpu.memory_space<hbm>>) dst(%dma_wait3A_99 : memref<80xi32, #tpu.memory_space<vmem>>)
    %dma_wait3A_101 = arith.constant 0 : i32
    %dma_wait3A_102 = arith.constant 0 : i32
    %dma_wait3A_103 = tpu.memref_slice %arg6[%dma_wait3A_101, %dma_wait3A_102] : memref<4x80xi32, #tpu.memory_space<vmem>> -> memref<1x80xi32, #tpu.memory_space<vmem>>
    %dma_wait3A_104 = tpu.memref_squeeze %dma_wait3A_103 : memref<1x80xi32, #tpu.memory_space<vmem>> -> memref<80xi32, #tpu.memory_space<vmem>>
    %dma_wait3A_105 = tpu.memref_slice %arg3[%min3A_90] : memref<640000xi32, #tpu.memory_space<hbm>> -> memref<80xi32, #tpu.memory_space<hbm>>
    %dma_wait3A_106 = arith.constant 0 : i32
    %dma_wait3A_107 = tpu.memref_slice %arg6[%dma_wait3A_101, %dma_wait3A_106] : memref<4x80xi32, #tpu.memory_space<vmem>> -> memref<1x80xi32, #tpu.memory_space<vmem>>
    %dma_wait3A_108 = tpu.memref_squeeze %dma_wait3A_107 : memref<1x80xi32, #tpu.memory_space<vmem>> -> memref<80xi32, #tpu.memory_space<vmem>>
    %dma_wait3A_109 = tpu.memref_slice %arg3[%min3A_90] : memref<640000xi32, #tpu.memory_space<hbm>> -> memref<80xi32, #tpu.memory_space<hbm>>
    tpu.wait_dma2 semaphore(%arg12 : memref<!tpu.dma_semaphore, #tpu.memory_space<semaphore_mem>>) src(%dma_wait3A_109 : memref<80xi32, #tpu.memory_space<hbm>>) dst(%dma_wait3A_108 : memref<80xi32, #tpu.memory_space<vmem>>)
    %dma_start3A_110 = arith.constant 0 : i32
    %dma_start3A_111 = arith.constant 0 : i32
    %dma_start3A_112 = tpu.memref_slice %arg5[%dma_start3A_110, %dma_start3A_111] : memref<4x80xi32, #tpu.memory_space<vmem>> -> memref<1x80xi32, #tpu.memory_space<vmem>>
    %dma_start3A_113 = tpu.memref_squeeze %dma_start3A_112 : memref<1x80xi32, #tpu.memory_space<vmem>> -> memref<80xi32, #tpu.memory_space<vmem>>
    %dma_start3A_114 = arith.constant 0 : i32
    %dma_start3A_115 = arith.constant 0 : i32
    %dma_start3A_116 = tpu.memref_slice %arg2[%dma_start3A_114, %dma_start3A_115] : memref<10000x128xf32, #tpu.memory_space<hbm>> -> memref<10000x128xf32, #tpu.memory_space<hbm>>
    tpu.enqueue_indirect_dma source(%dma_start3A_116 : memref<10000x128xf32, #tpu.memory_space<hbm>>) target(%arg7 : memref<80x128xf32, #tpu.memory_space<vmem>>) offsets(%dma_start3A_113 : memref<80xi32, #tpu.memory_space<vmem>>) semaphore(%arg16 : memref<!tpu.dma_semaphore, #tpu.memory_space<semaphore_mem>>)
    %add3A_117 = arith.constant 80 : i32
    %add3A_118 = arith.addi %mul3A_2, %add3A_117 : i32
    %min3A_119 = arith.constant 319920 : i32
    %min3A_120 = arith.minsi %add3A_118, %min3A_119 : i32
    %add3A_121 = arith.constant 320000 : i32
    %add3A_122 = arith.addi %add3A_121, %min3A_120 : i32
    %dma_wait3A_123 = arith.constant 1 : i32
    %dma_wait3A_124 = arith.constant 0 : i32
    %dma_wait3A_125 = tpu.memref_slice %arg5[%dma_wait3A_123, %dma_wait3A_124] : memref<4x80xi32, #tpu.memory_space<vmem>> -> memref<1x80xi32, #tpu.memory_space<vmem>>
    %dma_wait3A_126 = tpu.memref_squeeze %dma_wait3A_125 : memref<1x80xi32, #tpu.memory_space<vmem>> -> memref<80xi32, #tpu.memory_space<vmem>>
    %dma_wait3A_127 = tpu.memref_slice %arg3[%add3A_122] : memref<640000xi32, #tpu.memory_space<hbm>> -> memref<80xi32, #tpu.memory_space<hbm>>
    %dma_wait3A_128 = arith.constant 0 : i32
    %dma_wait3A_129 = tpu.memref_slice %arg5[%dma_wait3A_123, %dma_wait3A_128] : memref<4x80xi32, #tpu.memory_space<vmem>> -> memref<1x80xi32, #tpu.memory_space<vmem>>
    %dma_wait3A_130 = tpu.memref_squeeze %dma_wait3A_129 : memref<1x80xi32, #tpu.memory_space<vmem>> -> memref<80xi32, #tpu.memory_space<vmem>>
    %dma_wait3A_131 = tpu.memref_slice %arg3[%add3A_122] : memref<640000xi32, #tpu.memory_space<hbm>> -> memref<80xi32, #tpu.memory_space<hbm>>
    tpu.wait_dma2 semaphore(%arg13 : memref<!tpu.dma_semaphore, #tpu.memory_space<semaphore_mem>>) src(%dma_wait3A_131 : memref<80xi32, #tpu.memory_space<hbm>>) dst(%dma_wait3A_130 : memref<80xi32, #tpu.memory_space<vmem>>)
    %dma_wait3A_132 = arith.constant 1 : i32
    %dma_wait3A_133 = arith.constant 0 : i32
    %dma_wait3A_134 = tpu.memref_slice %arg6[%dma_wait3A_132, %dma_wait3A_133] : memref<4x80xi32, #tpu.memory_space<vmem>> -> memref<1x80xi32, #tpu.memory_space<vmem>>
    %dma_wait3A_135 = tpu.memref_squeeze %dma_wait3A_134 : memref<1x80xi32, #tpu.memory_space<vmem>> -> memref<80xi32, #tpu.memory_space<vmem>>
    %dma_wait3A_136 = tpu.memref_slice %arg3[%min3A_120] : memref<640000xi32, #tpu.memory_space<hbm>> -> memref<80xi32, #tpu.memory_space<hbm>>
    %dma_wait3A_137 = arith.constant 0 : i32
    %dma_wait3A_138 = tpu.memref_slice %arg6[%dma_wait3A_132, %dma_wait3A_137] : memref<4x80xi32, #tpu.memory_space<vmem>> -> memref<1x80xi32, #tpu.memory_space<vmem>>
    %dma_wait3A_139 = tpu.memref_squeeze %dma_wait3A_138 : memref<1x80xi32, #tpu.memory_space<vmem>> -> memref<80xi32, #tpu.memory_space<vmem>>
    %dma_wait3A_140 = tpu.memref_slice %arg3[%min3A_120] : memref<640000xi32, #tpu.memory_space<hbm>> -> memref<80xi32, #tpu.memory_space<hbm>>
    tpu.wait_dma2 semaphore(%arg13 : memref<!tpu.dma_semaphore, #tpu.memory_space<semaphore_mem>>) src(%dma_wait3A_140 : memref<80xi32, #tpu.memory_space<hbm>>) dst(%dma_wait3A_139 : memref<80xi32, #tpu.memory_space<vmem>>)
    %dma_start3A_141 = arith.constant 1 : i32
    %dma_start3A_142 = arith.constant 0 : i32
    %dma_start3A_143 = tpu.memref_slice %arg5[%dma_start3A_141, %dma_start3A_142] : memref<4x80xi32, #tpu.memory_space<vmem>> -> memref<1x80xi32, #tpu.memory_space<vmem>>
    %dma_start3A_144 = tpu.memref_squeeze %dma_start3A_143 : memref<1x80xi32, #tpu.memory_space<vmem>> -> memref<80xi32, #tpu.memory_space<vmem>>
    %dma_start3A_145 = arith.constant 0 : i32
    %dma_start3A_146 = arith.constant 0 : i32
    %dma_start3A_147 = tpu.memref_slice %arg2[%dma_start3A_145, %dma_start3A_146] : memref<10000x128xf32, #tpu.memory_space<hbm>> -> memref<10000x128xf32, #tpu.memory_space<hbm>>
    tpu.enqueue_indirect_dma source(%dma_start3A_147 : memref<10000x128xf32, #tpu.memory_space<hbm>>) target(%arg8 : memref<80x128xf32, #tpu.memory_space<vmem>>) offsets(%dma_start3A_144 : memref<80xi32, #tpu.memory_space<vmem>>) semaphore(%arg17 : memref<!tpu.dma_semaphore, #tpu.memory_space<semaphore_mem>>)
    %add3A_148 = arith.constant 160 : i32
    %add3A_149 = arith.addi %mul3A_2, %add3A_148 : i32
    %min3A_150 = arith.constant 319920 : i32
    %min3A_151 = arith.minsi %add3A_149, %min3A_150 : i32
    %add3A_152 = arith.constant 320000 : i32
    %add3A_153 = arith.addi %add3A_152, %min3A_151 : i32
    %dma_start3A_154 = arith.constant 2 : i32
    %dma_start3A_155 = arith.constant 0 : i32
    %dma_start3A_156 = tpu.memref_slice %arg5[%dma_start3A_154, %dma_start3A_155] : memref<4x80xi32, #tpu.memory_space<vmem>> -> memref<1x80xi32, #tpu.memory_space<vmem>>
    %dma_start3A_157 = tpu.memref_squeeze %dma_start3A_156 : memref<1x80xi32, #tpu.memory_space<vmem>> -> memref<80xi32, #tpu.memory_space<vmem>>
    %dma_start3A_158 = tpu.memref_slice %arg3[%add3A_153] : memref<640000xi32, #tpu.memory_space<hbm>> -> memref<80xi32, #tpu.memory_space<hbm>>
    %dma_start3A_159 = arith.constant 0 : i32
    %dma_start3A_160 = tpu.memref_slice %arg5[%dma_start3A_154, %dma_start3A_159] : memref<4x80xi32, #tpu.memory_space<vmem>> -> memref<1x80xi32, #tpu.memory_space<vmem>>
    %dma_start3A_161 = tpu.memref_squeeze %dma_start3A_160 : memref<1x80xi32, #tpu.memory_space<vmem>> -> memref<80xi32, #tpu.memory_space<vmem>>
    %dma_start3A_162 = tpu.memref_slice %arg3[%add3A_153] : memref<640000xi32, #tpu.memory_space<hbm>> -> memref<80xi32, #tpu.memory_space<hbm>>
    tpu.enqueue_dma source(%dma_start3A_162 : memref<80xi32, #tpu.memory_space<hbm>>) target(%dma_start3A_161 : memref<80xi32, #tpu.memory_space<vmem>>) target_semaphore(%arg14 : memref<!tpu.dma_semaphore, #tpu.memory_space<semaphore_mem>>)
    %dma_start3A_163 = arith.constant 2 : i32
    %dma_start3A_164 = arith.constant 0 : i32
    %dma_start3A_165 = tpu.memref_slice %arg6[%dma_start3A_163, %dma_start3A_164] : memref<4x80xi32, #tpu.memory_space<vmem>> -> memref<1x80xi32, #tpu.memory_space<vmem>>
    %dma_start3A_166 = tpu.memref_squeeze %dma_start3A_165 : memref<1x80xi32, #tpu.memory_space<vmem>> -> memref<80xi32, #tpu.memory_space<vmem>>
    %dma_start3A_167 = tpu.memref_slice %arg3[%min3A_151] : memref<640000xi32, #tpu.memory_space<hbm>> -> memref<80xi32, #tpu.memory_space<hbm>>
    %dma_start3A_168 = arith.constant 0 : i32
    %dma_start3A_169 = tpu.memref_slice %arg6[%dma_start3A_163, %dma_start3A_168] : memref<4x80xi32, #tpu.memory_space<vmem>> -> memref<1x80xi32, #tpu.memory_space<vmem>>
    %dma_start3A_170 = tpu.memref_squeeze %dma_start3A_169 : memref<1x80xi32, #tpu.memory_space<vmem>> -> memref<80xi32, #tpu.memory_space<vmem>>
    %dma_start3A_171 = tpu.memref_slice %arg3[%min3A_151] : memref<640000xi32, #tpu.memory_space<hbm>> -> memref<80xi32, #tpu.memory_space<hbm>>
    tpu.enqueue_dma source(%dma_start3A_171 : memref<80xi32, #tpu.memory_space<hbm>>) target(%dma_start3A_170 : memref<80xi32, #tpu.memory_space<vmem>>) target_semaphore(%arg14 : memref<!tpu.dma_semaphore, #tpu.memory_space<semaphore_mem>>)
    %add3A_172 = arith.constant 240 : i32
    %add3A_173 = arith.addi %mul3A_2, %add3A_172 : i32
    %min3A_174 = arith.constant 319920 : i32
    %min3A_175 = arith.minsi %add3A_173, %min3A_174 : i32
    %add3A_176 = arith.constant 320000 : i32
    %add3A_177 = arith.addi %add3A_176, %min3A_175 : i32
    %dma_start3A_178 = arith.constant 3 : i32
    %dma_start3A_179 = arith.constant 0 : i32
    %dma_start3A_180 = tpu.memref_slice %arg5[%dma_start3A_178, %dma_start3A_179] : memref<4x80xi32, #tpu.memory_space<vmem>> -> memref<1x80xi32, #tpu.memory_space<vmem>>
    %dma_start3A_181 = tpu.memref_squeeze %dma_start3A_180 : memref<1x80xi32, #tpu.memory_space<vmem>> -> memref<80xi32, #tpu.memory_space<vmem>>
    %dma_start3A_182 = tpu.memref_slice %arg3[%add3A_177] : memref<640000xi32, #tpu.memory_space<hbm>> -> memref<80xi32, #tpu.memory_space<hbm>>
    %dma_start3A_183 = arith.constant 0 : i32
    %dma_start3A_184 = tpu.memref_slice %arg5[%dma_start3A_178, %dma_start3A_183] : memref<4x80xi32, #tpu.memory_space<vmem>> -> memref<1x80xi32, #tpu.memory_space<vmem>>
    %dma_start3A_185 = tpu.memref_squeeze %dma_start3A_184 : memref<1x80xi32, #tpu.memory_space<vmem>> -> memref<80xi32, #tpu.memory_space<vmem>>
    %dma_start3A_186 = tpu.memref_slice %arg3[%add3A_177] : memref<640000xi32, #tpu.memory_space<hbm>> -> memref<80xi32, #tpu.memory_space<hbm>>
    tpu.enqueue_dma source(%dma_start3A_186 : memref<80xi32, #tpu.memory_space<hbm>>) target(%dma_start3A_185 : memref<80xi32, #tpu.memory_space<vmem>>) target_semaphore(%arg15 : memref<!tpu.dma_semaphore, #tpu.memory_space<semaphore_mem>>)
    %dma_start3A_187 = arith.constant 3 : i32
    %dma_start3A_188 = arith.constant 0 : i32
    %dma_start3A_189 = tpu.memref_slice %arg6[%dma_start3A_187, %dma_start3A_188] : memref<4x80xi32, #tpu.memory_space<vmem>> -> memref<1x80xi32, #tpu.memory_space<vmem>>
    %dma_start3A_190 = tpu.memref_squeeze %dma_start3A_189 : memref<1x80xi32, #tpu.memory_space<vmem>> -> memref<80xi32, #tpu.memory_space<vmem>>
    %dma_start3A_191 = tpu.memref_slice %arg3[%min3A_175] : memref<640000xi32, #tpu.memory_space<hbm>> -> memref<80xi32, #tpu.memory_space<hbm>>
    %dma_start3A_192 = arith.constant 0 : i32
    %dma_start3A_193 = tpu.memref_slice %arg6[%dma_start3A_187, %dma_start3A_192] : memref<4x80xi32, #tpu.memory_space<vmem>> -> memref<1x80xi32, #tpu.memory_space<vmem>>
    %dma_start3A_194 = tpu.memref_squeeze %dma_start3A_193 : memref<1x80xi32, #tpu.memory_space<vmem>> -> memref<80xi32, #tpu.memory_space<vmem>>
    %dma_start3A_195 = tpu.memref_slice %arg3[%min3A_175] : memref<640000xi32, #tpu.memory_space<hbm>> -> memref<80xi32, #tpu.memory_space<hbm>>
    tpu.enqueue_dma source(%dma_start3A_195 : memref<80xi32, #tpu.memory_space<hbm>>) target(%dma_start3A_194 : memref<80xi32, #tpu.memory_space<vmem>>) target_semaphore(%arg15 : memref<!tpu.dma_semaphore, #tpu.memory_space<semaphore_mem>>)
    %add3A_196 = arith.constant 160 : i32
    %add3A_197 = arith.addi %mul3A_2, %add3A_196 : i32
    %min3A_198 = arith.constant 319920 : i32
    %min3A_199 = arith.minsi %add3A_197, %min3A_198 : i32
    %add3A_200 = arith.constant 320000 : i32
    %add3A_201 = arith.addi %add3A_200, %min3A_199 : i32
    %dma_wait3A_202 = arith.constant 2 : i32
    %dma_wait3A_203 = arith.constant 0 : i32
    %dma_wait3A_204 = tpu.memref_slice %arg5[%dma_wait3A_202, %dma_wait3A_203] : memref<4x80xi32, #tpu.memory_space<vmem>> -> memref<1x80xi32, #tpu.memory_space<vmem>>
    %dma_wait3A_205 = tpu.memref_squeeze %dma_wait3A_204 : memref<1x80xi32, #tpu.memory_space<vmem>> -> memref<80xi32, #tpu.memory_space<vmem>>
    %dma_wait3A_206 = tpu.memref_slice %arg3[%add3A_201] : memref<640000xi32, #tpu.memory_space<hbm>> -> memref<80xi32, #tpu.memory_space<hbm>>
    %dma_wait3A_207 = arith.constant 0 : i32
    %dma_wait3A_208 = tpu.memref_slice %arg5[%dma_wait3A_202, %dma_wait3A_207] : memref<4x80xi32, #tpu.memory_space<vmem>> -> memref<1x80xi32, #tpu.memory_space<vmem>>
    %dma_wait3A_209 = tpu.memref_squeeze %dma_wait3A_208 : memref<1x80xi32, #tpu.memory_space<vmem>> -> memref<80xi32, #tpu.memory_space<vmem>>
    %dma_wait3A_210 = tpu.memref_slice %arg3[%add3A_201] : memref<640000xi32, #tpu.memory_space<hbm>> -> memref<80xi32, #tpu.memory_space<hbm>>
    tpu.wait_dma2 semaphore(%arg14 : memref<!tpu.dma_semaphore, #tpu.memory_space<semaphore_mem>>) src(%dma_wait3A_210 : memref<80xi32, #tpu.memory_space<hbm>>) dst(%dma_wait3A_209 : memref<80xi32, #tpu.memory_space<vmem>>)
    %dma_wait3A_211 = arith.constant 2 : i32
    %dma_wait3A_212 = arith.constant 0 : i32
    %dma_wait3A_213 = tpu.memref_slice %arg6[%dma_wait3A_211, %dma_wait3A_212] : memref<4x80xi32, #tpu.memory_space<vmem>> -> memref<1x80xi32, #tpu.memory_space<vmem>>
    %dma_wait3A_214 = tpu.memref_squeeze %dma_wait3A_213 : memref<1x80xi32, #tpu.memory_space<vmem>> -> memref<80xi32, #tpu.memory_space<vmem>>
    %dma_wait3A_215 = tpu.memref_slice %arg3[%min3A_199] : memref<640000xi32, #tpu.memory_space<hbm>> -> memref<80xi32, #tpu.memory_space<hbm>>
    %dma_wait3A_216 = arith.constant 0 : i32
    %dma_wait3A_217 = tpu.memref_slice %arg6[%dma_wait3A_211, %dma_wait3A_216] : memref<4x80xi32, #tpu.memory_space<vmem>> -> memref<1x80xi32, #tpu.memory_space<vmem>>
    %dma_wait3A_218 = tpu.memref_squeeze %dma_wait3A_217 : memref<1x80xi32, #tpu.memory_space<vmem>> -> memref<80xi32, #tpu.memory_space<vmem>>
    %dma_wait3A_219 = tpu.memref_slice %arg3[%min3A_199] : memref<640000xi32, #tpu.memory_space<hbm>> -> memref<80xi32, #tpu.memory_space<hbm>>
    tpu.wait_dma2 semaphore(%arg14 : memref<!tpu.dma_semaphore, #tpu.memory_space<semaphore_mem>>) src(%dma_wait3A_219 : memref<80xi32, #tpu.memory_space<hbm>>) dst(%dma_wait3A_218 : memref<80xi32, #tpu.memory_space<vmem>>)
    %dma_start3A_220 = arith.constant 2 : i32
    %dma_start3A_221 = arith.constant 0 : i32
    %dma_start3A_222 = tpu.memref_slice %arg5[%dma_start3A_220, %dma_start3A_221] : memref<4x80xi32, #tpu.memory_space<vmem>> -> memref<1x80xi32, #tpu.memory_space<vmem>>
    %dma_start3A_223 = tpu.memref_squeeze %dma_start3A_222 : memref<1x80xi32, #tpu.memory_space<vmem>> -> memref<80xi32, #tpu.memory_space<vmem>>
    %dma_start3A_224 = arith.constant 0 : i32
    %dma_start3A_225 = arith.constant 0 : i32
    %dma_start3A_226 = tpu.memref_slice %arg2[%dma_start3A_224, %dma_start3A_225] : memref<10000x128xf32, #tpu.memory_space<hbm>> -> memref<10000x128xf32, #tpu.memory_space<hbm>>
    tpu.enqueue_indirect_dma source(%dma_start3A_226 : memref<10000x128xf32, #tpu.memory_space<hbm>>) target(%arg9 : memref<80x128xf32, #tpu.memory_space<vmem>>) offsets(%dma_start3A_223 : memref<80xi32, #tpu.memory_space<vmem>>) semaphore(%arg18 : memref<!tpu.dma_semaphore, #tpu.memory_space<semaphore_mem>>)
    %barrier3A = arith.constant 0 : index
    tpu.barrier barrier_id(%barrier3A)
    %scan3A_227 = arith.constant 0 : i32
    %scan3A_228 = arith.constant 0 : i32
    %scan3A_229 = arith.constant 30 : i32
    %scan3A_230 = arith.addi %scan3A_228, %scan3A_229 : i32
    %scan3A_231 = arith.constant 1 : i32
    scf.for %scan3A_411 = %scan3A_228 to %scan3A_230 step %scan3A_231  : i32 {
      %mul3A_412 = arith.constant 4 : i32
      %mul3A_413 = arith.muli %scan3A_411, %mul3A_412 : i32
      %add3A_414 = arith.constant 3 : i32
      %add3A_415 = arith.addi %mul3A_413, %add3A_414 : i32
      %mul3A_416 = arith.constant 80 : i32
      %mul3A_417 = arith.muli %add3A_415, %mul3A_416 : i32
      %add3A_418 = arith.addi %mul3A_2, %mul3A_417 : i32
      %min3A_419 = arith.constant 319920 : i32
      %min3A_420 = arith.minsi %add3A_418, %min3A_419 : i32
      %add3A_421 = arith.constant 320000 : i32
      %add3A_422 = arith.addi %add3A_421, %min3A_420 : i32
      %dma_wait3A_423 = arith.constant 3 : i32
      %dma_wait3A_424 = arith.constant 0 : i32
      %dma_wait3A_425 = tpu.memref_slice %arg5[%dma_wait3A_423, %dma_wait3A_424] : memref<4x80xi32, #tpu.memory_space<vmem>> -> memref<1x80xi32, #tpu.memory_space<vmem>>
      %dma_wait3A_426 = tpu.memref_squeeze %dma_wait3A_425 : memref<1x80xi32, #tpu.memory_space<vmem>> -> memref<80xi32, #tpu.memory_space<vmem>>
      %dma_wait3A_427 = tpu.memref_slice %arg3[%add3A_422] : memref<640000xi32, #tpu.memory_space<hbm>> -> memref<80xi32, #tpu.memory_space<hbm>>
      %dma_wait3A_428 = arith.constant 0 : i32
      %dma_wait3A_429 = tpu.memref_slice %arg5[%dma_wait3A_423, %dma_wait3A_428] : memref<4x80xi32, #tpu.memory_space<vmem>> -> memref<1x80xi32, #tpu.memory_space<vmem>>
      %dma_wait3A_430 = tpu.memref_squeeze %dma_wait3A_429 : memref<1x80xi32, #tpu.memory_space<vmem>> -> memref<80xi32, #tpu.memory_space<vmem>>
      %dma_wait3A_431 = tpu.memref_slice %arg3[%add3A_422] : memref<640000xi32, #tpu.memory_space<hbm>> -> memref<80xi32, #tpu.memory_space<hbm>>
      tpu.wait_dma2 semaphore(%arg15 : memref<!tpu.dma_semaphore, #tpu.memory_space<semaphore_mem>>) src(%dma_wait3A_431 : memref<80xi32, #tpu.memory_space<hbm>>) dst(%dma_wait3A_430 : memref<80xi32, #tpu.memory_space<vmem>>)
      %dma_wait3A_432 = arith.constant 3 : i32
      %dma_wait3A_433 = arith.constant 0 : i32
      %dma_wait3A_434 = tpu.memref_slice %arg6[%dma_wait3A_432, %dma_wait3A_433] : memref<4x80xi32, #tpu.memory_space<vmem>> -> memref<1x80xi32, #tpu.memory_space<vmem>>
      %dma_wait3A_435 = tpu.memref_squeeze %dma_wait3A_434 : memref<1x80xi32, #tpu.memory_space<vmem>> -> memref<80xi32, #tpu.memory_space<vmem>>
      %dma_wait3A_436 = tpu.memref_slice %arg3[%min3A_420] : memref<640000xi32, #tpu.memory_space<hbm>> -> memref<80xi32, #tpu.memory_space<hbm>>
      %dma_wait3A_437 = arith.constant 0 : i32
      %dma_wait3A_438 = tpu.memref_slice %arg6[%dma_wait3A_432, %dma_wait3A_437] : memref<4x80xi32, #tpu.memory_space<vmem>> -> memref<1x80xi32, #tpu.memory_space<vmem>>
      %dma_wait3A_439 = tpu.memref_squeeze %dma_wait3A_438 : memref<1x80xi32, #tpu.memory_space<vmem>> -> memref<80xi32, #tpu.memory_space<vmem>>
      %dma_wait3A_440 = tpu.memref_slice %arg3[%min3A_420] : memref<640000xi32, #tpu.memory_space<hbm>> -> memref<80xi32, #tpu.memory_space<hbm>>
      tpu.wait_dma2 semaphore(%arg15 : memref<!tpu.dma_semaphore, #tpu.memory_space<semaphore_mem>>) src(%dma_wait3A_440 : memref<80xi32, #tpu.memory_space<hbm>>) dst(%dma_wait3A_439 : memref<80xi32, #tpu.memory_space<vmem>>)
      %dma_start3A_441 = arith.constant 3 : i32
      %dma_start3A_442 = arith.constant 0 : i32
      %dma_start3A_443 = tpu.memref_slice %arg5[%dma_start3A_441, %dma_start3A_442] : memref<4x80xi32, #tpu.memory_space<vmem>> -> memref<1x80xi32, #tpu.memory_space<vmem>>
      %dma_start3A_444 = tpu.memref_squeeze %dma_start3A_443 : memref<1x80xi32, #tpu.memory_space<vmem>> -> memref<80xi32, #tpu.memory_space<vmem>>
      %dma_start3A_445 = arith.constant 0 : i32
      %dma_start3A_446 = arith.constant 0 : i32
      %dma_start3A_447 = tpu.memref_slice %arg2[%dma_start3A_445, %dma_start3A_446] : memref<10000x128xf32, #tpu.memory_space<hbm>> -> memref<10000x128xf32, #tpu.memory_space<hbm>>
      tpu.enqueue_indirect_dma source(%dma_start3A_447 : memref<10000x128xf32, #tpu.memory_space<hbm>>) target(%arg10 : memref<80x128xf32, #tpu.memory_space<vmem>>) offsets(%dma_start3A_444 : memref<80xi32, #tpu.memory_space<vmem>>) semaphore(%arg19 : memref<!tpu.dma_semaphore, #tpu.memory_space<semaphore_mem>>)
      %dma_wait3A_448 = arith.constant 0 : i32
      %dma_wait3A_449 = arith.constant 0 : i32
      %dma_wait3A_450 = tpu.memref_slice %arg5[%dma_wait3A_448, %dma_wait3A_449] : memref<4x80xi32, #tpu.memory_space<vmem>> -> memref<1x80xi32, #tpu.memory_space<vmem>>
      %dma_wait3A_451 = tpu.memref_squeeze %dma_wait3A_450 : memref<1x80xi32, #tpu.memory_space<vmem>> -> memref<80xi32, #tpu.memory_space<vmem>>
      %dma_wait3A_452 = arith.constant 0 : i32
      %dma_wait3A_453 = arith.constant 0 : i32
      %dma_wait3A_454 = tpu.memref_slice %arg2[%dma_wait3A_452, %dma_wait3A_453] : memref<10000x128xf32, #tpu.memory_space<hbm>> -> memref<10000x128xf32, #tpu.memory_space<hbm>>
      tpu.wait_indirect_dma semaphore(%arg16 : memref<!tpu.dma_semaphore, #tpu.memory_space<semaphore_mem>>) src(%dma_wait3A_454 : memref<10000x128xf32, #tpu.memory_space<hbm>>) dst(%arg7 : memref<80x128xf32, #tpu.memory_space<vmem>>)
      %run_scoped3A_455 = arith.constant 0 : i32
      "tpu.region"() ({
        %run_scoped3A_702 = tpu.sem_alloc : memref<!tpu.dma_semaphore, #tpu.memory_space<semaphore_mem>>
        %dma_start3A_703 = arith.constant 0 : i32
        %dma_start3A_704 = tpu.memref_slice %arg6[%run_scoped3A_455, %dma_start3A_703] : memref<4x80xi32, #tpu.memory_space<vmem>> -> memref<1x80xi32, #tpu.memory_space<vmem>>
        %dma_start3A_705 = tpu.memref_squeeze %dma_start3A_704 : memref<1x80xi32, #tpu.memory_space<vmem>> -> memref<80xi32, #tpu.memory_space<vmem>>
        %dma_start3A_706 = arith.constant 0 : i32
        %dma_start3A_707 = arith.constant 0 : i32
        %dma_start3A_708 = tpu.memref_slice %arg11[%dma_start3A_706, %dma_start3A_707] : memref<10240x128xf32, #tpu.memory_space<vmem_shared>> -> memref<10240x128xf32, #tpu.memory_space<vmem_shared>>
        tpu.enqueue_indirect_dma source(%arg7 : memref<80x128xf32, #tpu.memory_space<vmem>>) target(%dma_start3A_708 : memref<10240x128xf32, #tpu.memory_space<vmem_shared>>) offsets(%dma_start3A_705 : memref<80xi32, #tpu.memory_space<vmem>>) semaphore(%run_scoped3A_702 : memref<!tpu.dma_semaphore, #tpu.memory_space<semaphore_mem>>) {add = true}
        %dma_wait3A_709 = arith.constant 0 : i32
        %dma_wait3A_710 = tpu.memref_slice %arg6[%run_scoped3A_455, %dma_wait3A_709] : memref<4x80xi32, #tpu.memory_space<vmem>> -> memref<1x80xi32, #tpu.memory_space<vmem>>
        %dma_wait3A_711 = tpu.memref_squeeze %dma_wait3A_710 : memref<1x80xi32, #tpu.memory_space<vmem>> -> memref<80xi32, #tpu.memory_space<vmem>>
        %dma_wait3A_712 = arith.constant 0 : i32
        %dma_wait3A_713 = arith.constant 0 : i32
        %dma_wait3A_714 = tpu.memref_slice %arg11[%dma_wait3A_712, %dma_wait3A_713] : memref<10240x128xf32, #tpu.memory_space<vmem_shared>> -> memref<10240x128xf32, #tpu.memory_space<vmem_shared>>
        tpu.wait_indirect_dma semaphore(%run_scoped3A_702 : memref<!tpu.dma_semaphore, #tpu.memory_space<semaphore_mem>>) src(%arg7 : memref<80x128xf32, #tpu.memory_space<vmem>>) dst(%dma_wait3A_714 : memref<10240x128xf32, #tpu.memory_space<vmem_shared>>)
        tpu.yield
      }) : () -> ()
      %add3A_456 = arith.constant 4 : i32
      %add3A_457 = arith.addi %mul3A_413, %add3A_456 : i32
      %mul3A_458 = arith.constant 80 : i32
      %mul3A_459 = arith.muli %add3A_457, %mul3A_458 : i32
      %add3A_460 = arith.addi %mul3A_2, %mul3A_459 : i32
      %min3A_461 = arith.constant 319920 : i32
      %min3A_462 = arith.minsi %add3A_460, %min3A_461 : i32
      %add3A_463 = arith.constant 320000 : i32
      %add3A_464 = arith.addi %add3A_463, %min3A_462 : i32
      %dma_start3A_465 = arith.constant 0 : i32
      %dma_start3A_466 = arith.constant 0 : i32
      %dma_start3A_467 = tpu.memref_slice %arg5[%dma_start3A_465, %dma_start3A_466] : memref<4x80xi32, #tpu.memory_space<vmem>> -> memref<1x80xi32, #tpu.memory_space<vmem>>
      %dma_start3A_468 = tpu.memref_squeeze %dma_start3A_467 : memref<1x80xi32, #tpu.memory_space<vmem>> -> memref<80xi32, #tpu.memory_space<vmem>>
      %dma_start3A_469 = tpu.memref_slice %arg3[%add3A_464] : memref<640000xi32, #tpu.memory_space<hbm>> -> memref<80xi32, #tpu.memory_space<hbm>>
      %dma_start3A_470 = arith.constant 0 : i32
      %dma_start3A_471 = tpu.memref_slice %arg5[%dma_start3A_465, %dma_start3A_470] : memref<4x80xi32, #tpu.memory_space<vmem>> -> memref<1x80xi32, #tpu.memory_space<vmem>>
      %dma_start3A_472 = tpu.memref_squeeze %dma_start3A_471 : memref<1x80xi32, #tpu.memory_space<vmem>> -> memref<80xi32, #tpu.memory_space<vmem>>
      %dma_start3A_473 = tpu.memref_slice %arg3[%add3A_464] : memref<640000xi32, #tpu.memory_space<hbm>> -> memref<80xi32, #tpu.memory_space<hbm>>
      tpu.enqueue_dma source(%dma_start3A_473 : memref<80xi32, #tpu.memory_space<hbm>>) target(%dma_start3A_472 : memref<80xi32, #tpu.memory_space<vmem>>) target_semaphore(%arg12 : memref<!tpu.dma_semaphore, #tpu.memory_space<semaphore_mem>>)
      %dma_start3A_474 = arith.constant 0 : i32
      %dma_start3A_475 = arith.constant 0 : i32
      %dma_start3A_476 = tpu.memref_slice %arg6[%dma_start3A_474, %dma_start3A_475] : memref<4x80xi32, #tpu.memory_space<vmem>> -> memref<1x80xi32, #tpu.memory_space<vmem>>
      %dma_start3A_477 = tpu.memref_squeeze %dma_start3A_476 : memref<1x80xi32, #tpu.memory_space<vmem>> -> memref<80xi32, #tpu.memory_space<vmem>>
      %dma_start3A_478 = tpu.memref_slice %arg3[%min3A_462] : memref<640000xi32, #tpu.memory_space<hbm>> -> memref<80xi32, #tpu.memory_space<hbm>>
      %dma_start3A_479 = arith.constant 0 : i32
      %dma_start3A_480 = tpu.memref_slice %arg6[%dma_start3A_474, %dma_start3A_479] : memref<4x80xi32, #tpu.memory_space<vmem>> -> memref<1x80xi32, #tpu.memory_space<vmem>>
      %dma_start3A_481 = tpu.memref_squeeze %dma_start3A_480 : memref<1x80xi32, #tpu.memory_space<vmem>> -> memref<80xi32, #tpu.memory_space<vmem>>
      %dma_start3A_482 = tpu.memref_slice %arg3[%min3A_462] : memref<640000xi32, #tpu.memory_space<hbm>> -> memref<80xi32, #tpu.memory_space<hbm>>
      tpu.enqueue_dma source(%dma_start3A_482 : memref<80xi32, #tpu.memory_space<hbm>>) target(%dma_start3A_481 : memref<80xi32, #tpu.memory_space<vmem>>) target_semaphore(%arg12 : memref<!tpu.dma_semaphore, #tpu.memory_space<semaphore_mem>>)
      %mul3A_483 = arith.constant 4 : i32
      %mul3A_484 = arith.muli %scan3A_411, %mul3A_483 : i32
      %add3A_485 = arith.constant 1 : i32
      %add3A_486 = arith.addi %mul3A_484, %add3A_485 : i32
      %add3A_487 = arith.constant 3 : i32
      %add3A_488 = arith.addi %add3A_486, %add3A_487 : i32
      %mul3A_489 = arith.constant 80 : i32
      %mul3A_490 = arith.muli %add3A_488, %mul3A_489 : i32
      %add3A_491 = arith.addi %mul3A_2, %mul3A_490 : i32
      %min3A_492 = arith.constant 319920 : i32
      %min3A_493 = arith.minsi %add3A_491, %min3A_492 : i32
      %add3A_494 = arith.constant 320000 : i32
      %add3A_495 = arith.addi %add3A_494, %min3A_493 : i32
      %dma_wait3A_496 = arith.constant 0 : i32
      %dma_wait3A_497 = arith.constant 0 : i32
      %dma_wait3A_498 = tpu.memref_slice %arg5[%dma_wait3A_496, %dma_wait3A_497] : memref<4x80xi32, #tpu.memory_space<vmem>> -> memref<1x80xi32, #tpu.memory_space<vmem>>
      %dma_wait3A_499 = tpu.memref_squeeze %dma_wait3A_498 : memref<1x80xi32, #tpu.memory_space<vmem>> -> memref<80xi32, #tpu.memory_space<vmem>>
      %dma_wait3A_500 = tpu.memref_slice %arg3[%add3A_495] : memref<640000xi32, #tpu.memory_space<hbm>> -> memref<80xi32, #tpu.memory_space<hbm>>
      %dma_wait3A_501 = arith.constant 0 : i32
      %dma_wait3A_502 = tpu.memref_slice %arg5[%dma_wait3A_496, %dma_wait3A_501] : memref<4x80xi32, #tpu.memory_space<vmem>> -> memref<1x80xi32, #tpu.memory_space<vmem>>
      %dma_wait3A_503 = tpu.memref_squeeze %dma_wait3A_502 : memref<1x80xi32, #tpu.memory_space<vmem>> -> memref<80xi32, #tpu.memory_space<vmem>>
      %dma_wait3A_504 = tpu.memref_slice %arg3[%add3A_495] : memref<640000xi32, #tpu.memory_space<hbm>> -> memref<80xi32, #tpu.memory_space<hbm>>
      tpu.wait_dma2 semaphore(%arg12 : memref<!tpu.dma_semaphore, #tpu.memory_space<semaphore_mem>>) src(%dma_wait3A_504 : memref<80xi32, #tpu.memory_space<hbm>>) dst(%dma_wait3A_503 : memref<80xi32, #tpu.memory_space<vmem>>)
      %dma_wait3A_505 = arith.constant 0 : i32
      %dma_wait3A_506 = arith.constant 0 : i32
      %dma_wait3A_507 = tpu.memref_slice %arg6[%dma_wait3A_505, %dma_wait3A_506] : memref<4x80xi32, #tpu.memory_space<vmem>> -> memref<1x80xi32, #tpu.memory_space<vmem>>
      %dma_wait3A_508 = tpu.memref_squeeze %dma_wait3A_507 : memref<1x80xi32, #tpu.memory_space<vmem>> -> memref<80xi32, #tpu.memory_space<vmem>>
      %dma_wait3A_509 = tpu.memref_slice %arg3[%min3A_493] : memref<640000xi32, #tpu.memory_space<hbm>> -> memref<80xi32, #tpu.memory_space<hbm>>
      %dma_wait3A_510 = arith.constant 0 : i32
      %dma_wait3A_511 = tpu.memref_slice %arg6[%dma_wait3A_505, %dma_wait3A_510] : memref<4x80xi32, #tpu.memory_space<vmem>> -> memref<1x80xi32, #tpu.memory_space<vmem>>
      %dma_wait3A_512 = tpu.memref_squeeze %dma_wait3A_511 : memref<1x80xi32, #tpu.memory_space<vmem>> -> memref<80xi32, #tpu.memory_space<vmem>>
      %dma_wait3A_513 = tpu.memref_slice %arg3[%min3A_493] : memref<640000xi32, #tpu.memory_space<hbm>> -> memref<80xi32, #tpu.memory_space<hbm>>
      tpu.wait_dma2 semaphore(%arg12 : memref<!tpu.dma_semaphore, #tpu.memory_space<semaphore_mem>>) src(%dma_wait3A_513 : memref<80xi32, #tpu.memory_space<hbm>>) dst(%dma_wait3A_512 : memref<80xi32, #tpu.memory_space<vmem>>)
      %dma_start3A_514 = arith.constant 0 : i32
      %dma_start3A_515 = arith.constant 0 : i32
      %dma_start3A_516 = tpu.memref_slice %arg5[%dma_start3A_514, %dma_start3A_515] : memref<4x80xi32, #tpu.memory_space<vmem>> -> memref<1x80xi32, #tpu.memory_space<vmem>>
      %dma_start3A_517 = tpu.memref_squeeze %dma_start3A_516 : memref<1x80xi32, #tpu.memory_space<vmem>> -> memref<80xi32, #tpu.memory_space<vmem>>
      %dma_start3A_518 = arith.constant 0 : i32
      %dma_start3A_519 = arith.constant 0 : i32
      %dma_start3A_520 = tpu.memref_slice %arg2[%dma_start3A_518, %dma_start3A_519] : memref<10000x128xf32, #tpu.memory_space<hbm>> -> memref<10000x128xf32, #tpu.memory_space<hbm>>
      tpu.enqueue_indirect_dma source(%dma_start3A_520 : memref<10000x128xf32, #tpu.memory_space<hbm>>) target(%arg7 : memref<80x128xf32, #tpu.memory_space<vmem>>) offsets(%dma_start3A_517 : memref<80xi32, #tpu.memory_space<vmem>>) semaphore(%arg16 : memref<!tpu.dma_semaphore, #tpu.memory_space<semaphore_mem>>)
      %dma_wait3A_521 = arith.constant 1 : i32
      %dma_wait3A_522 = arith.constant 0 : i32
      %dma_wait3A_523 = tpu.memref_slice %arg5[%dma_wait3A_521, %dma_wait3A_522] : memref<4x80xi32, #tpu.memory_space<vmem>> -> memref<1x80xi32, #tpu.memory_space<vmem>>
      %dma_wait3A_524 = tpu.memref_squeeze %dma_wait3A_523 : memref<1x80xi32, #tpu.memory_space<vmem>> -> memref<80xi32, #tpu.memory_space<vmem>>
      %dma_wait3A_525 = arith.constant 0 : i32
      %dma_wait3A_526 = arith.constant 0 : i32
      %dma_wait3A_527 = tpu.memref_slice %arg2[%dma_wait3A_525, %dma_wait3A_526] : memref<10000x128xf32, #tpu.memory_space<hbm>> -> memref<10000x128xf32, #tpu.memory_space<hbm>>
      tpu.wait_indirect_dma semaphore(%arg17 : memref<!tpu.dma_semaphore, #tpu.memory_space<semaphore_mem>>) src(%dma_wait3A_527 : memref<10000x128xf32, #tpu.memory_space<hbm>>) dst(%arg8 : memref<80x128xf32, #tpu.memory_space<vmem>>)
      %run_scoped3A_528 = arith.constant 1 : i32
      "tpu.region"() ({
        %run_scoped3A_702 = tpu.sem_alloc : memref<!tpu.dma_semaphore, #tpu.memory_space<semaphore_mem>>
        %dma_start3A_703 = arith.constant 0 : i32
        %dma_start3A_704 = tpu.memref_slice %arg6[%run_scoped3A_528, %dma_start3A_703] : memref<4x80xi32, #tpu.memory_space<vmem>> -> memref<1x80xi32, #tpu.memory_space<vmem>>
        %dma_start3A_705 = tpu.memref_squeeze %dma_start3A_704 : memref<1x80xi32, #tpu.memory_space<vmem>> -> memref<80xi32, #tpu.memory_space<vmem>>
        %dma_start3A_706 = arith.constant 0 : i32
        %dma_start3A_707 = arith.constant 0 : i32
        %dma_start3A_708 = tpu.memref_slice %arg11[%dma_start3A_706, %dma_start3A_707] : memref<10240x128xf32, #tpu.memory_space<vmem_shared>> -> memref<10240x128xf32, #tpu.memory_space<vmem_shared>>
        tpu.enqueue_indirect_dma source(%arg8 : memref<80x128xf32, #tpu.memory_space<vmem>>) target(%dma_start3A_708 : memref<10240x128xf32, #tpu.memory_space<vmem_shared>>) offsets(%dma_start3A_705 : memref<80xi32, #tpu.memory_space<vmem>>) semaphore(%run_scoped3A_702 : memref<!tpu.dma_semaphore, #tpu.memory_space<semaphore_mem>>) {add = true}
        %dma_wait3A_709 = arith.constant 0 : i32
        %dma_wait3A_710 = tpu.memref_slice %arg6[%run_scoped3A_528, %dma_wait3A_709] : memref<4x80xi32, #tpu.memory_space<vmem>> -> memref<1x80xi32, #tpu.memory_space<vmem>>
        %dma_wait3A_711 = tpu.memref_squeeze %dma_wait3A_710 : memref<1x80xi32, #tpu.memory_space<vmem>> -> memref<80xi32, #tpu.memory_space<vmem>>
        %dma_wait3A_712 = arith.constant 0 : i32
        %dma_wait3A_713 = arith.constant 0 : i32
        %dma_wait3A_714 = tpu.memref_slice %arg11[%dma_wait3A_712, %dma_wait3A_713] : memref<10240x128xf32, #tpu.memory_space<vmem_shared>> -> memref<10240x128xf32, #tpu.memory_space<vmem_shared>>
        tpu.wait_indirect_dma semaphore(%run_scoped3A_702 : memref<!tpu.dma_semaphore, #tpu.memory_space<semaphore_mem>>) src(%arg8 : memref<80x128xf32, #tpu.memory_space<vmem>>) dst(%dma_wait3A_714 : memref<10240x128xf32, #tpu.memory_space<vmem_shared>>)
        tpu.yield
      }) : () -> ()
      %add3A_529 = arith.constant 4 : i32
      %add3A_530 = arith.addi %add3A_486, %add3A_529 : i32
      %mul3A_531 = arith.constant 80 : i32
      %mul3A_532 = arith.muli %add3A_530, %mul3A_531 : i32
      %add3A_533 = arith.addi %mul3A_2, %mul3A_532 : i32
      %min3A_534 = arith.constant 319920 : i32
      %min3A_535 = arith.minsi %add3A_533, %min3A_534 : i32
      %add3A_536 = arith.constant 320000 : i32
      %add3A_537 = arith.addi %add3A_536, %min3A_535 : i32
      %dma_start3A_538 = arith.constant 1 : i32
      %dma_start3A_539 = arith.constant 0 : i32
      %dma_start3A_540 = tpu.memref_slice %arg5[%dma_start3A_538, %dma_start3A_539] : memref<4x80xi32, #tpu.memory_space<vmem>> -> memref<1x80xi32, #tpu.memory_space<vmem>>
      %dma_start3A_541 = tpu.memref_squeeze %dma_start3A_540 : memref<1x80xi32, #tpu.memory_space<vmem>> -> memref<80xi32, #tpu.memory_space<vmem>>
      %dma_start3A_542 = tpu.memref_slice %arg3[%add3A_537] : memref<640000xi32, #tpu.memory_space<hbm>> -> memref<80xi32, #tpu.memory_space<hbm>>
      %dma_start3A_543 = arith.constant 0 : i32
      %dma_start3A_544 = tpu.memref_slice %arg5[%dma_start3A_538, %dma_start3A_543] : memref<4x80xi32, #tpu.memory_space<vmem>> -> memref<1x80xi32, #tpu.memory_space<vmem>>
      %dma_start3A_545 = tpu.memref_squeeze %dma_start3A_544 : memref<1x80xi32, #tpu.memory_space<vmem>> -> memref<80xi32, #tpu.memory_space<vmem>>
      %dma_start3A_546 = tpu.memref_slice %arg3[%add3A_537] : memref<640000xi32, #tpu.memory_space<hbm>> -> memref<80xi32, #tpu.memory_space<hbm>>
      tpu.enqueue_dma source(%dma_start3A_546 : memref<80xi32, #tpu.memory_space<hbm>>) target(%dma_start3A_545 : memref<80xi32, #tpu.memory_space<vmem>>) target_semaphore(%arg13 : memref<!tpu.dma_semaphore, #tpu.memory_space<semaphore_mem>>)
      %dma_start3A_547 = arith.constant 1 : i32
      %dma_start3A_548 = arith.constant 0 : i32
      %dma_start3A_549 = tpu.memref_slice %arg6[%dma_start3A_547, %dma_start3A_548] : memref<4x80xi32, #tpu.memory_space<vmem>> -> memref<1x80xi32, #tpu.memory_space<vmem>>
      %dma_start3A_550 = tpu.memref_squeeze %dma_start3A_549 : memref<1x80xi32, #tpu.memory_space<vmem>> -> memref<80xi32, #tpu.memory_space<vmem>>
      %dma_start3A_551 = tpu.memref_slice %arg3[%min3A_535] : memref<640000xi32, #tpu.memory_space<hbm>> -> memref<80xi32, #tpu.memory_space<hbm>>
      %dma_start3A_552 = arith.constant 0 : i32
      %dma_start3A_553 = tpu.memref_slice %arg6[%dma_start3A_547, %dma_start3A_552] : memref<4x80xi32, #tpu.memory_space<vmem>> -> memref<1x80xi32, #tpu.memory_space<vmem>>
      %dma_start3A_554 = tpu.memref_squeeze %dma_start3A_553 : memref<1x80xi32, #tpu.memory_space<vmem>> -> memref<80xi32, #tpu.memory_space<vmem>>
      %dma_start3A_555 = tpu.memref_slice %arg3[%min3A_535] : memref<640000xi32, #tpu.memory_space<hbm>> -> memref<80xi32, #tpu.memory_space<hbm>>
      tpu.enqueue_dma source(%dma_start3A_555 : memref<80xi32, #tpu.memory_space<hbm>>) target(%dma_start3A_554 : memref<80xi32, #tpu.memory_space<vmem>>) target_semaphore(%arg13 : memref<!tpu.dma_semaphore, #tpu.memory_space<semaphore_mem>>)
      %mul3A_556 = arith.constant 4 : i32
      %mul3A_557 = arith.muli %scan3A_411, %mul3A_556 : i32
      %add3A_558 = arith.constant 2 : i32
      %add3A_559 = arith.addi %mul3A_557, %add3A_558 : i32
      %add3A_560 = arith.constant 3 : i32
      %add3A_561 = arith.addi %add3A_559, %add3A_560 : i32
      %mul3A_562 = arith.constant 80 : i32
      %mul3A_563 = arith.muli %add3A_561, %mul3A_562 : i32
      %add3A_564 = arith.addi %mul3A_2, %mul3A_563 : i32
      %min3A_565 = arith.constant 319920 : i32
      %min3A_566 = arith.minsi %add3A_564, %min3A_565 : i32
      %add3A_567 = arith.constant 320000 : i32
      %add3A_568 = arith.addi %add3A_567, %min3A_566 : i32
      %dma_wait3A_569 = arith.constant 1 : i32
      %dma_wait3A_570 = arith.constant 0 : i32
      %dma_wait3A_571 = tpu.memref_slice %arg5[%dma_wait3A_569, %dma_wait3A_570] : memref<4x80xi32, #tpu.memory_space<vmem>> -> memref<1x80xi32, #tpu.memory_space<vmem>>
      %dma_wait3A_572 = tpu.memref_squeeze %dma_wait3A_571 : memref<1x80xi32, #tpu.memory_space<vmem>> -> memref<80xi32, #tpu.memory_space<vmem>>
      %dma_wait3A_573 = tpu.memref_slice %arg3[%add3A_568] : memref<640000xi32, #tpu.memory_space<hbm>> -> memref<80xi32, #tpu.memory_space<hbm>>
      %dma_wait3A_574 = arith.constant 0 : i32
      %dma_wait3A_575 = tpu.memref_slice %arg5[%dma_wait3A_569, %dma_wait3A_574] : memref<4x80xi32, #tpu.memory_space<vmem>> -> memref<1x80xi32, #tpu.memory_space<vmem>>
      %dma_wait3A_576 = tpu.memref_squeeze %dma_wait3A_575 : memref<1x80xi32, #tpu.memory_space<vmem>> -> memref<80xi32, #tpu.memory_space<vmem>>
      %dma_wait3A_577 = tpu.memref_slice %arg3[%add3A_568] : memref<640000xi32, #tpu.memory_space<hbm>> -> memref<80xi32, #tpu.memory_space<hbm>>
      tpu.wait_dma2 semaphore(%arg13 : memref<!tpu.dma_semaphore, #tpu.memory_space<semaphore_mem>>) src(%dma_wait3A_577 : memref<80xi32, #tpu.memory_space<hbm>>) dst(%dma_wait3A_576 : memref<80xi32, #tpu.memory_space<vmem>>)
      %dma_wait3A_578 = arith.constant 1 : i32
      %dma_wait3A_579 = arith.constant 0 : i32
      %dma_wait3A_580 = tpu.memref_slice %arg6[%dma_wait3A_578, %dma_wait3A_579] : memref<4x80xi32, #tpu.memory_space<vmem>> -> memref<1x80xi32, #tpu.memory_space<vmem>>
      %dma_wait3A_581 = tpu.memref_squeeze %dma_wait3A_580 : memref<1x80xi32, #tpu.memory_space<vmem>> -> memref<80xi32, #tpu.memory_space<vmem>>
      %dma_wait3A_582 = tpu.memref_slice %arg3[%min3A_566] : memref<640000xi32, #tpu.memory_space<hbm>> -> memref<80xi32, #tpu.memory_space<hbm>>
      %dma_wait3A_583 = arith.constant 0 : i32
      %dma_wait3A_584 = tpu.memref_slice %arg6[%dma_wait3A_578, %dma_wait3A_583] : memref<4x80xi32, #tpu.memory_space<vmem>> -> memref<1x80xi32, #tpu.memory_space<vmem>>
      %dma_wait3A_585 = tpu.memref_squeeze %dma_wait3A_584 : memref<1x80xi32, #tpu.memory_space<vmem>> -> memref<80xi32, #tpu.memory_space<vmem>>
      %dma_wait3A_586 = tpu.memref_slice %arg3[%min3A_566] : memref<640000xi32, #tpu.memory_space<hbm>> -> memref<80xi32, #tpu.memory_space<hbm>>
      tpu.wait_dma2 semaphore(%arg13 : memref<!tpu.dma_semaphore, #tpu.memory_space<semaphore_mem>>) src(%dma_wait3A_586 : memref<80xi32, #tpu.memory_space<hbm>>) dst(%dma_wait3A_585 : memref<80xi32, #tpu.memory_space<vmem>>)
      %dma_start3A_587 = arith.constant 1 : i32
      %dma_start3A_588 = arith.constant 0 : i32
      %dma_start3A_589 = tpu.memref_slice %arg5[%dma_start3A_587, %dma_start3A_588] : memref<4x80xi32, #tpu.memory_space<vmem>> -> memref<1x80xi32, #tpu.memory_space<vmem>>
      %dma_start3A_590 = tpu.memref_squeeze %dma_start3A_589 : memref<1x80xi32, #tpu.memory_space<vmem>> -> memref<80xi32, #tpu.memory_space<vmem>>
      %dma_start3A_591 = arith.constant 0 : i32
      %dma_start3A_592 = arith.constant 0 : i32
      %dma_start3A_593 = tpu.memref_slice %arg2[%dma_start3A_591, %dma_start3A_592] : memref<10000x128xf32, #tpu.memory_space<hbm>> -> memref<10000x128xf32, #tpu.memory_space<hbm>>
      tpu.enqueue_indirect_dma source(%dma_start3A_593 : memref<10000x128xf32, #tpu.memory_space<hbm>>) target(%arg8 : memref<80x128xf32, #tpu.memory_space<vmem>>) offsets(%dma_start3A_590 : memref<80xi32, #tpu.memory_space<vmem>>) semaphore(%arg17 : memref<!tpu.dma_semaphore, #tpu.memory_space<semaphore_mem>>)
      %dma_wait3A_594 = arith.constant 2 : i32
      %dma_wait3A_595 = arith.constant 0 : i32
      %dma_wait3A_596 = tpu.memref_slice %arg5[%dma_wait3A_594, %dma_wait3A_595] : memref<4x80xi32, #tpu.memory_space<vmem>> -> memref<1x80xi32, #tpu.memory_space<vmem>>
      %dma_wait3A_597 = tpu.memref_squeeze %dma_wait3A_596 : memref<1x80xi32, #tpu.memory_space<vmem>> -> memref<80xi32, #tpu.memory_space<vmem>>
      %dma_wait3A_598 = arith.constant 0 : i32
      %dma_wait3A_599 = arith.constant 0 : i32
      %dma_wait3A_600 = tpu.memref_slice %arg2[%dma_wait3A_598, %dma_wait3A_599] : memref<10000x128xf32, #tpu.memory_space<hbm>> -> memref<10000x128xf32, #tpu.memory_space<hbm>>
      tpu.wait_indirect_dma semaphore(%arg18 : memref<!tpu.dma_semaphore, #tpu.memory_space<semaphore_mem>>) src(%dma_wait3A_600 : memref<10000x128xf32, #tpu.memory_space<hbm>>) dst(%arg9 : memref<80x128xf32, #tpu.memory_space<vmem>>)
      %run_scoped3A_601 = arith.constant 2 : i32
      "tpu.region"() ({
        %run_scoped3A_702 = tpu.sem_alloc : memref<!tpu.dma_semaphore, #tpu.memory_space<semaphore_mem>>
        %dma_start3A_703 = arith.constant 0 : i32
        %dma_start3A_704 = tpu.memref_slice %arg6[%run_scoped3A_601, %dma_start3A_703] : memref<4x80xi32, #tpu.memory_space<vmem>> -> memref<1x80xi32, #tpu.memory_space<vmem>>
        %dma_start3A_705 = tpu.memref_squeeze %dma_start3A_704 : memref<1x80xi32, #tpu.memory_space<vmem>> -> memref<80xi32, #tpu.memory_space<vmem>>
        %dma_start3A_706 = arith.constant 0 : i32
        %dma_start3A_707 = arith.constant 0 : i32
        %dma_start3A_708 = tpu.memref_slice %arg11[%dma_start3A_706, %dma_start3A_707] : memref<10240x128xf32, #tpu.memory_space<vmem_shared>> -> memref<10240x128xf32, #tpu.memory_space<vmem_shared>>
        tpu.enqueue_indirect_dma source(%arg9 : memref<80x128xf32, #tpu.memory_space<vmem>>) target(%dma_start3A_708 : memref<10240x128xf32, #tpu.memory_space<vmem_shared>>) offsets(%dma_start3A_705 : memref<80xi32, #tpu.memory_space<vmem>>) semaphore(%run_scoped3A_702 : memref<!tpu.dma_semaphore, #tpu.memory_space<semaphore_mem>>) {add = true}
        %dma_wait3A_709 = arith.constant 0 : i32
        %dma_wait3A_710 = tpu.memref_slice %arg6[%run_scoped3A_601, %dma_wait3A_709] : memref<4x80xi32, #tpu.memory_space<vmem>> -> memref<1x80xi32, #tpu.memory_space<vmem>>
        %dma_wait3A_711 = tpu.memref_squeeze %dma_wait3A_710 : memref<1x80xi32, #tpu.memory_space<vmem>> -> memref<80xi32, #tpu.memory_space<vmem>>
        %dma_wait3A_712 = arith.constant 0 : i32
        %dma_wait3A_713 = arith.constant 0 : i32
        %dma_wait3A_714 = tpu.memref_slice %arg11[%dma_wait3A_712, %dma_wait3A_713] : memref<10240x128xf32, #tpu.memory_space<vmem_shared>> -> memref<10240x128xf32, #tpu.memory_space<vmem_shared>>
        tpu.wait_indirect_dma semaphore(%run_scoped3A_702 : memref<!tpu.dma_semaphore, #tpu.memory_space<semaphore_mem>>) src(%arg9 : memref<80x128xf32, #tpu.memory_space<vmem>>) dst(%dma_wait3A_714 : memref<10240x128xf32, #tpu.memory_space<vmem_shared>>)
        tpu.yield
      }) : () -> ()
      %add3A_602 = arith.constant 4 : i32
      %add3A_603 = arith.addi %add3A_559, %add3A_602 : i32
      %mul3A_604 = arith.constant 80 : i32
      %mul3A_605 = arith.muli %add3A_603, %mul3A_604 : i32
      %add3A_606 = arith.addi %mul3A_2, %mul3A_605 : i32
      %min3A_607 = arith.constant 319920 : i32
      %min3A_608 = arith.minsi %add3A_606, %min3A_607 : i32
      %add3A_609 = arith.constant 320000 : i32
      %add3A_610 = arith.addi %add3A_609, %min3A_608 : i32
      %dma_start3A_611 = arith.constant 2 : i32
      %dma_start3A_612 = arith.constant 0 : i32
      %dma_start3A_613 = tpu.memref_slice %arg5[%dma_start3A_611, %dma_start3A_612] : memref<4x80xi32, #tpu.memory_space<vmem>> -> memref<1x80xi32, #tpu.memory_space<vmem>>
      %dma_start3A_614 = tpu.memref_squeeze %dma_start3A_613 : memref<1x80xi32, #tpu.memory_space<vmem>> -> memref<80xi32, #tpu.memory_space<vmem>>
      %dma_start3A_615 = tpu.memref_slice %arg3[%add3A_610] : memref<640000xi32, #tpu.memory_space<hbm>> -> memref<80xi32, #tpu.memory_space<hbm>>
      %dma_start3A_616 = arith.constant 0 : i32
      %dma_start3A_617 = tpu.memref_slice %arg5[%dma_start3A_611, %dma_start3A_616] : memref<4x80xi32, #tpu.memory_space<vmem>> -> memref<1x80xi32, #tpu.memory_space<vmem>>
      %dma_start3A_618 = tpu.memref_squeeze %dma_start3A_617 : memref<1x80xi32, #tpu.memory_space<vmem>> -> memref<80xi32, #tpu.memory_space<vmem>>
      %dma_start3A_619 = tpu.memref_slice %arg3[%add3A_610] : memref<640000xi32, #tpu.memory_space<hbm>> -> memref<80xi32, #tpu.memory_space<hbm>>
      tpu.enqueue_dma source(%dma_start3A_619 : memref<80xi32, #tpu.memory_space<hbm>>) target(%dma_start3A_618 : memref<80xi32, #tpu.memory_space<vmem>>) target_semaphore(%arg14 : memref<!tpu.dma_semaphore, #tpu.memory_space<semaphore_mem>>)
      %dma_start3A_620 = arith.constant 2 : i32
      %dma_start3A_621 = arith.constant 0 : i32
      %dma_start3A_622 = tpu.memref_slice %arg6[%dma_start3A_620, %dma_start3A_621] : memref<4x80xi32, #tpu.memory_space<vmem>> -> memref<1x80xi32, #tpu.memory_space<vmem>>
      %dma_start3A_623 = tpu.memref_squeeze %dma_start3A_622 : memref<1x80xi32, #tpu.memory_space<vmem>> -> memref<80xi32, #tpu.memory_space<vmem>>
      %dma_start3A_624 = tpu.memref_slice %arg3[%min3A_608] : memref<640000xi32, #tpu.memory_space<hbm>> -> memref<80xi32, #tpu.memory_space<hbm>>
      %dma_start3A_625 = arith.constant 0 : i32
      %dma_start3A_626 = tpu.memref_slice %arg6[%dma_start3A_620, %dma_start3A_625] : memref<4x80xi32, #tpu.memory_space<vmem>> -> memref<1x80xi32, #tpu.memory_space<vmem>>
      %dma_start3A_627 = tpu.memref_squeeze %dma_start3A_626 : memref<1x80xi32, #tpu.memory_space<vmem>> -> memref<80xi32, #tpu.memory_space<vmem>>
      %dma_start3A_628 = tpu.memref_slice %arg3[%min3A_608] : memref<640000xi32, #tpu.memory_space<hbm>> -> memref<80xi32, #tpu.memory_space<hbm>>
      tpu.enqueue_dma source(%dma_start3A_628 : memref<80xi32, #tpu.memory_space<hbm>>) target(%dma_start3A_627 : memref<80xi32, #tpu.memory_space<vmem>>) target_semaphore(%arg14 : memref<!tpu.dma_semaphore, #tpu.memory_space<semaphore_mem>>)
      %mul3A_629 = arith.constant 4 : i32
      %mul3A_630 = arith.muli %scan3A_411, %mul3A_629 : i32
      %add3A_631 = arith.constant 3 : i32
      %add3A_632 = arith.addi %mul3A_630, %add3A_631 : i32
      %add3A_633 = arith.constant 3 : i32
      %add3A_634 = arith.addi %add3A_632, %add3A_633 : i32
      %mul3A_635 = arith.constant 80 : i32
      %mul3A_636 = arith.muli %add3A_634, %mul3A_635 : i32
      %add3A_637 = arith.addi %mul3A_2, %mul3A_636 : i32
      %min3A_638 = arith.constant 319920 : i32
      %min3A_639 = arith.minsi %add3A_637, %min3A_638 : i32
      %add3A_640 = arith.constant 320000 : i32
      %add3A_641 = arith.addi %add3A_640, %min3A_639 : i32
      %dma_wait3A_642 = arith.constant 2 : i32
      %dma_wait3A_643 = arith.constant 0 : i32
      %dma_wait3A_644 = tpu.memref_slice %arg5[%dma_wait3A_642, %dma_wait3A_643] : memref<4x80xi32, #tpu.memory_space<vmem>> -> memref<1x80xi32, #tpu.memory_space<vmem>>
      %dma_wait3A_645 = tpu.memref_squeeze %dma_wait3A_644 : memref<1x80xi32, #tpu.memory_space<vmem>> -> memref<80xi32, #tpu.memory_space<vmem>>
      %dma_wait3A_646 = tpu.memref_slice %arg3[%add3A_641] : memref<640000xi32, #tpu.memory_space<hbm>> -> memref<80xi32, #tpu.memory_space<hbm>>
      %dma_wait3A_647 = arith.constant 0 : i32
      %dma_wait3A_648 = tpu.memref_slice %arg5[%dma_wait3A_642, %dma_wait3A_647] : memref<4x80xi32, #tpu.memory_space<vmem>> -> memref<1x80xi32, #tpu.memory_space<vmem>>
      %dma_wait3A_649 = tpu.memref_squeeze %dma_wait3A_648 : memref<1x80xi32, #tpu.memory_space<vmem>> -> memref<80xi32, #tpu.memory_space<vmem>>
      %dma_wait3A_650 = tpu.memref_slice %arg3[%add3A_641] : memref<640000xi32, #tpu.memory_space<hbm>> -> memref<80xi32, #tpu.memory_space<hbm>>
      tpu.wait_dma2 semaphore(%arg14 : memref<!tpu.dma_semaphore, #tpu.memory_space<semaphore_mem>>) src(%dma_wait3A_650 : memref<80xi32, #tpu.memory_space<hbm>>) dst(%dma_wait3A_649 : memref<80xi32, #tpu.memory_space<vmem>>)
      %dma_wait3A_651 = arith.constant 2 : i32
      %dma_wait3A_652 = arith.constant 0 : i32
      %dma_wait3A_653 = tpu.memref_slice %arg6[%dma_wait3A_651, %dma_wait3A_652] : memref<4x80xi32, #tpu.memory_space<vmem>> -> memref<1x80xi32, #tpu.memory_space<vmem>>
      %dma_wait3A_654 = tpu.memref_squeeze %dma_wait3A_653 : memref<1x80xi32, #tpu.memory_space<vmem>> -> memref<80xi32, #tpu.memory_space<vmem>>
      %dma_wait3A_655 = tpu.memref_slice %arg3[%min3A_639] : memref<640000xi32, #tpu.memory_space<hbm>> -> memref<80xi32, #tpu.memory_space<hbm>>
      %dma_wait3A_656 = arith.constant 0 : i32
      %dma_wait3A_657 = tpu.memref_slice %arg6[%dma_wait3A_651, %dma_wait3A_656] : memref<4x80xi32, #tpu.memory_space<vmem>> -> memref<1x80xi32, #tpu.memory_space<vmem>>
      %dma_wait3A_658 = tpu.memref_squeeze %dma_wait3A_657 : memref<1x80xi32, #tpu.memory_space<vmem>> -> memref<80xi32, #tpu.memory_space<vmem>>
      %dma_wait3A_659 = tpu.memref_slice %arg3[%min3A_639] : memref<640000xi32, #tpu.memory_space<hbm>> -> memref<80xi32, #tpu.memory_space<hbm>>
      tpu.wait_dma2 semaphore(%arg14 : memref<!tpu.dma_semaphore, #tpu.memory_space<semaphore_mem>>) src(%dma_wait3A_659 : memref<80xi32, #tpu.memory_space<hbm>>) dst(%dma_wait3A_658 : memref<80xi32, #tpu.memory_space<vmem>>)
      %dma_start3A_660 = arith.constant 2 : i32
      %dma_start3A_661 = arith.constant 0 : i32
      %dma_start3A_662 = tpu.memref_slice %arg5[%dma_start3A_660, %dma_start3A_661] : memref<4x80xi32, #tpu.memory_space<vmem>> -> memref<1x80xi32, #tpu.memory_space<vmem>>
      %dma_start3A_663 = tpu.memref_squeeze %dma_start3A_662 : memref<1x80xi32, #tpu.memory_space<vmem>> -> memref<80xi32, #tpu.memory_space<vmem>>
      %dma_start3A_664 = arith.constant 0 : i32
      %dma_start3A_665 = arith.constant 0 : i32
      %dma_start3A_666 = tpu.memref_slice %arg2[%dma_start3A_664, %dma_start3A_665] : memref<10000x128xf32, #tpu.memory_space<hbm>> -> memref<10000x128xf32, #tpu.memory_space<hbm>>
      tpu.enqueue_indirect_dma source(%dma_start3A_666 : memref<10000x128xf32, #tpu.memory_space<hbm>>) target(%arg9 : memref<80x128xf32, #tpu.memory_space<vmem>>) offsets(%dma_start3A_663 : memref<80xi32, #tpu.memory_space<vmem>>) semaphore(%arg18 : memref<!tpu.dma_semaphore, #tpu.memory_space<semaphore_mem>>)
      %dma_wait3A_667 = arith.constant 3 : i32
      %dma_wait3A_668 = arith.constant 0 : i32
      %dma_wait3A_669 = tpu.memref_slice %arg5[%dma_wait3A_667, %dma_wait3A_668] : memref<4x80xi32, #tpu.memory_space<vmem>> -> memref<1x80xi32, #tpu.memory_space<vmem>>
      %dma_wait3A_670 = tpu.memref_squeeze %dma_wait3A_669 : memref<1x80xi32, #tpu.memory_space<vmem>> -> memref<80xi32, #tpu.memory_space<vmem>>
      %dma_wait3A_671 = arith.constant 0 : i32
      %dma_wait3A_672 = arith.constant 0 : i32
      %dma_wait3A_673 = tpu.memref_slice %arg2[%dma_wait3A_671, %dma_wait3A_672] : memref<10000x128xf32, #tpu.memory_space<hbm>> -> memref<10000x128xf32, #tpu.memory_space<hbm>>
      tpu.wait_indirect_dma semaphore(%arg19 : memref<!tpu.dma_semaphore, #tpu.memory_space<semaphore_mem>>) src(%dma_wait3A_673 : memref<10000x128xf32, #tpu.memory_space<hbm>>) dst(%arg10 : memref<80x128xf32, #tpu.memory_space<vmem>>)
      %run_scoped3A_674 = arith.constant 3 : i32
      "tpu.region"() ({
        %run_scoped3A_702 = tpu.sem_alloc : memref<!tpu.dma_semaphore, #tpu.memory_space<semaphore_mem>>
        %dma_start3A_703 = arith.constant 0 : i32
        %dma_start3A_704 = tpu.memref_slice %arg6[%run_scoped3A_674, %dma_start3A_703] : memref<4x80xi32, #tpu.memory_space<vmem>> -> memref<1x80xi32, #tpu.memory_space<vmem>>
        %dma_start3A_705 = tpu.memref_squeeze %dma_start3A_704 : memref<1x80xi32, #tpu.memory_space<vmem>> -> memref<80xi32, #tpu.memory_space<vmem>>
        %dma_start3A_706 = arith.constant 0 : i32
        %dma_start3A_707 = arith.constant 0 : i32
        %dma_start3A_708 = tpu.memref_slice %arg11[%dma_start3A_706, %dma_start3A_707] : memref<10240x128xf32, #tpu.memory_space<vmem_shared>> -> memref<10240x128xf32, #tpu.memory_space<vmem_shared>>
        tpu.enqueue_indirect_dma source(%arg10 : memref<80x128xf32, #tpu.memory_space<vmem>>) target(%dma_start3A_708 : memref<10240x128xf32, #tpu.memory_space<vmem_shared>>) offsets(%dma_start3A_705 : memref<80xi32, #tpu.memory_space<vmem>>) semaphore(%run_scoped3A_702 : memref<!tpu.dma_semaphore, #tpu.memory_space<semaphore_mem>>) {add = true}
        %dma_wait3A_709 = arith.constant 0 : i32
        %dma_wait3A_710 = tpu.memref_slice %arg6[%run_scoped3A_674, %dma_wait3A_709] : memref<4x80xi32, #tpu.memory_space<vmem>> -> memref<1x80xi32, #tpu.memory_space<vmem>>
        %dma_wait3A_711 = tpu.memref_squeeze %dma_wait3A_710 : memref<1x80xi32, #tpu.memory_space<vmem>> -> memref<80xi32, #tpu.memory_space<vmem>>
        %dma_wait3A_712 = arith.constant 0 : i32
        %dma_wait3A_713 = arith.constant 0 : i32
        %dma_wait3A_714 = tpu.memref_slice %arg11[%dma_wait3A_712, %dma_wait3A_713] : memref<10240x128xf32, #tpu.memory_space<vmem_shared>> -> memref<10240x128xf32, #tpu.memory_space<vmem_shared>>
        tpu.wait_indirect_dma semaphore(%run_scoped3A_702 : memref<!tpu.dma_semaphore, #tpu.memory_space<semaphore_mem>>) src(%arg10 : memref<80x128xf32, #tpu.memory_space<vmem>>) dst(%dma_wait3A_714 : memref<10240x128xf32, #tpu.memory_space<vmem_shared>>)
        tpu.yield
      }) : () -> ()
      %add3A_675 = arith.constant 4 : i32
      %add3A_676 = arith.addi %add3A_632, %add3A_675 : i32
      %mul3A_677 = arith.constant 80 : i32
      %mul3A_678 = arith.muli %add3A_676, %mul3A_677 : i32
      %add3A_679 = arith.addi %mul3A_2, %mul3A_678 : i32
      %min3A_680 = arith.constant 319920 : i32
      %min3A_681 = arith.minsi %add3A_679, %min3A_680 : i32
      %add3A_682 = arith.constant 320000 : i32
      %add3A_683 = arith.addi %add3A_682, %min3A_681 : i32
      %dma_start3A_684 = arith.constant 3 : i32
      %dma_start3A_685 = arith.constant 0 : i32
      %dma_start3A_686 = tpu.memref_slice %arg5[%dma_start3A_684, %dma_start3A_685] : memref<4x80xi32, #tpu.memory_space<vmem>> -> memref<1x80xi32, #tpu.memory_space<vmem>>
      %dma_start3A_687 = tpu.memref_squeeze %dma_start3A_686 : memref<1x80xi32, #tpu.memory_space<vmem>> -> memref<80xi32, #tpu.memory_space<vmem>>
      %dma_start3A_688 = tpu.memref_slice %arg3[%add3A_683] : memref<640000xi32, #tpu.memory_space<hbm>> -> memref<80xi32, #tpu.memory_space<hbm>>
      %dma_start3A_689 = arith.constant 0 : i32
      %dma_start3A_690 = tpu.memref_slice %arg5[%dma_start3A_684, %dma_start3A_689] : memref<4x80xi32, #tpu.memory_space<vmem>> -> memref<1x80xi32, #tpu.memory_space<vmem>>
      %dma_start3A_691 = tpu.memref_squeeze %dma_start3A_690 : memref<1x80xi32, #tpu.memory_space<vmem>> -> memref<80xi32, #tpu.memory_space<vmem>>
      %dma_start3A_692 = tpu.memref_slice %arg3[%add3A_683] : memref<640000xi32, #tpu.memory_space<hbm>> -> memref<80xi32, #tpu.memory_space<hbm>>
      tpu.enqueue_dma source(%dma_start3A_692 : memref<80xi32, #tpu.memory_space<hbm>>) target(%dma_start3A_691 : memref<80xi32, #tpu.memory_space<vmem>>) target_semaphore(%arg15 : memref<!tpu.dma_semaphore, #tpu.memory_space<semaphore_mem>>)
      %dma_start3A_693 = arith.constant 3 : i32
      %dma_start3A_694 = arith.constant 0 : i32
      %dma_start3A_695 = tpu.memref_slice %arg6[%dma_start3A_693, %dma_start3A_694] : memref<4x80xi32, #tpu.memory_space<vmem>> -> memref<1x80xi32, #tpu.memory_space<vmem>>
      %dma_start3A_696 = tpu.memref_squeeze %dma_start3A_695 : memref<1x80xi32, #tpu.memory_space<vmem>> -> memref<80xi32, #tpu.memory_space<vmem>>
      %dma_start3A_697 = tpu.memref_slice %arg3[%min3A_681] : memref<640000xi32, #tpu.memory_space<hbm>> -> memref<80xi32, #tpu.memory_space<hbm>>
      %dma_start3A_698 = arith.constant 0 : i32
      %dma_start3A_699 = tpu.memref_slice %arg6[%dma_start3A_693, %dma_start3A_698] : memref<4x80xi32, #tpu.memory_space<vmem>> -> memref<1x80xi32, #tpu.memory_space<vmem>>
      %dma_start3A_700 = tpu.memref_squeeze %dma_start3A_699 : memref<1x80xi32, #tpu.memory_space<vmem>> -> memref<80xi32, #tpu.memory_space<vmem>>
      %dma_start3A_701 = tpu.memref_slice %arg3[%min3A_681] : memref<640000xi32, #tpu.memory_space<hbm>> -> memref<80xi32, #tpu.memory_space<hbm>>
      tpu.enqueue_dma source(%dma_start3A_701 : memref<80xi32, #tpu.memory_space<hbm>>) target(%dma_start3A_700 : memref<80xi32, #tpu.memory_space<vmem>>) target_semaphore(%arg15 : memref<!tpu.dma_semaphore, #tpu.memory_space<semaphore_mem>>)
    }
    %scan3A_232 = arith.constant 30 : i32
    %add3A_233 = arith.constant 9840 : i32
    %add3A_234 = arith.addi %mul3A_2, %add3A_233 : i32
    %min3A_235 = arith.constant 319920 : i32
    %min3A_236 = arith.minsi %add3A_234, %min3A_235 : i32
    %add3A_237 = arith.constant 320000 : i32
    %add3A_238 = arith.addi %add3A_237, %min3A_236 : i32
    %dma_wait3A_239 = arith.constant 3 : i32
    %dma_wait3A_240 = arith.constant 0 : i32
    %dma_wait3A_241 = tpu.memref_slice %arg5[%dma_wait3A_239, %dma_wait3A_240] : memref<4x80xi32, #tpu.memory_space<vmem>> -> memref<1x80xi32, #tpu.memory_space<vmem>>
    %dma_wait3A_242 = tpu.memref_squeeze %dma_wait3A_241 : memref<1x80xi32, #tpu.memory_space<vmem>> -> memref<80xi32, #tpu.memory_space<vmem>>
    %dma_wait3A_243 = tpu.memref_slice %arg3[%add3A_238] : memref<640000xi32, #tpu.memory_space<hbm>> -> memref<80xi32, #tpu.memory_space<hbm>>
    %dma_wait3A_244 = arith.constant 0 : i32
    %dma_wait3A_245 = tpu.memref_slice %arg5[%dma_wait3A_239, %dma_wait3A_244] : memref<4x80xi32, #tpu.memory_space<vmem>> -> memref<1x80xi32, #tpu.memory_space<vmem>>
    %dma_wait3A_246 = tpu.memref_squeeze %dma_wait3A_245 : memref<1x80xi32, #tpu.memory_space<vmem>> -> memref<80xi32, #tpu.memory_space<vmem>>
    %dma_wait3A_247 = tpu.memref_slice %arg3[%add3A_238] : memref<640000xi32, #tpu.memory_space<hbm>> -> memref<80xi32, #tpu.memory_space<hbm>>
    tpu.wait_dma2 semaphore(%arg15 : memref<!tpu.dma_semaphore, #tpu.memory_space<semaphore_mem>>) src(%dma_wait3A_247 : memref<80xi32, #tpu.memory_space<hbm>>) dst(%dma_wait3A_246 : memref<80xi32, #tpu.memory_space<vmem>>)
    %dma_wait3A_248 = arith.constant 3 : i32
    %dma_wait3A_249 = arith.constant 0 : i32
    %dma_wait3A_250 = tpu.memref_slice %arg6[%dma_wait3A_248, %dma_wait3A_249] : memref<4x80xi32, #tpu.memory_space<vmem>> -> memref<1x80xi32, #tpu.memory_space<vmem>>
    %dma_wait3A_251 = tpu.memref_squeeze %dma_wait3A_250 : memref<1x80xi32, #tpu.memory_space<vmem>> -> memref<80xi32, #tpu.memory_space<vmem>>
    %dma_wait3A_252 = tpu.memref_slice %arg3[%min3A_236] : memref<640000xi32, #tpu.memory_space<hbm>> -> memref<80xi32, #tpu.memory_space<hbm>>
    %dma_wait3A_253 = arith.constant 0 : i32
    %dma_wait3A_254 = tpu.memref_slice %arg6[%dma_wait3A_248, %dma_wait3A_253] : memref<4x80xi32, #tpu.memory_space<vmem>> -> memref<1x80xi32, #tpu.memory_space<vmem>>
    %dma_wait3A_255 = tpu.memref_squeeze %dma_wait3A_254 : memref<1x80xi32, #tpu.memory_space<vmem>> -> memref<80xi32, #tpu.memory_space<vmem>>
    %dma_wait3A_256 = tpu.memref_slice %arg3[%min3A_236] : memref<640000xi32, #tpu.memory_space<hbm>> -> memref<80xi32, #tpu.memory_space<hbm>>
    tpu.wait_dma2 semaphore(%arg15 : memref<!tpu.dma_semaphore, #tpu.memory_space<semaphore_mem>>) src(%dma_wait3A_256 : memref<80xi32, #tpu.memory_space<hbm>>) dst(%dma_wait3A_255 : memref<80xi32, #tpu.memory_space<vmem>>)
    %dma_start3A_257 = arith.constant 3 : i32
    %dma_start3A_258 = arith.constant 0 : i32
    %dma_start3A_259 = tpu.memref_slice %arg5[%dma_start3A_257, %dma_start3A_258] : memref<4x80xi32, #tpu.memory_space<vmem>> -> memref<1x80xi32, #tpu.memory_space<vmem>>
    %dma_start3A_260 = tpu.memref_squeeze %dma_start3A_259 : memref<1x80xi32, #tpu.memory_space<vmem>> -> memref<80xi32, #tpu.memory_space<vmem>>
    %dma_start3A_261 = arith.constant 0 : i32
    %dma_start3A_262 = arith.constant 0 : i32
    %dma_start3A_263 = tpu.memref_slice %arg2[%dma_start3A_261, %dma_start3A_262] : memref<10000x128xf32, #tpu.memory_space<hbm>> -> memref<10000x128xf32, #tpu.memory_space<hbm>>
    tpu.enqueue_indirect_dma source(%dma_start3A_263 : memref<10000x128xf32, #tpu.memory_space<hbm>>) target(%arg10 : memref<80x128xf32, #tpu.memory_space<vmem>>) offsets(%dma_start3A_260 : memref<80xi32, #tpu.memory_space<vmem>>) semaphore(%arg19 : memref<!tpu.dma_semaphore, #tpu.memory_space<semaphore_mem>>)
    %dma_wait3A_264 = arith.constant 0 : i32
    %dma_wait3A_265 = arith.constant 0 : i32
    %dma_wait3A_266 = tpu.memref_slice %arg5[%dma_wait3A_264, %dma_wait3A_265] : memref<4x80xi32, #tpu.memory_space<vmem>> -> memref<1x80xi32, #tpu.memory_space<vmem>>
    %dma_wait3A_267 = tpu.memref_squeeze %dma_wait3A_266 : memref<1x80xi32, #tpu.memory_space<vmem>> -> memref<80xi32, #tpu.memory_space<vmem>>
    %dma_wait3A_268 = arith.constant 0 : i32
    %dma_wait3A_269 = arith.constant 0 : i32
    %dma_wait3A_270 = tpu.memref_slice %arg2[%dma_wait3A_268, %dma_wait3A_269] : memref<10000x128xf32, #tpu.memory_space<hbm>> -> memref<10000x128xf32, #tpu.memory_space<hbm>>
    tpu.wait_indirect_dma semaphore(%arg16 : memref<!tpu.dma_semaphore, #tpu.memory_space<semaphore_mem>>) src(%dma_wait3A_270 : memref<10000x128xf32, #tpu.memory_space<hbm>>) dst(%arg7 : memref<80x128xf32, #tpu.memory_space<vmem>>)
    %run_scoped3A = arith.constant 0 : i32
    "tpu.region"() ({
      %run_scoped3A_411 = tpu.sem_alloc : memref<!tpu.dma_semaphore, #tpu.memory_space<semaphore_mem>>
      %dma_start3A_412 = arith.constant 0 : i32
      %dma_start3A_413 = tpu.memref_slice %arg6[%run_scoped3A, %dma_start3A_412] : memref<4x80xi32, #tpu.memory_space<vmem>> -> memref<1x80xi32, #tpu.memory_space<vmem>>
      %dma_start3A_414 = tpu.memref_squeeze %dma_start3A_413 : memref<1x80xi32, #tpu.memory_space<vmem>> -> memref<80xi32, #tpu.memory_space<vmem>>
      %dma_start3A_415 = arith.constant 0 : i32
      %dma_start3A_416 = arith.constant 0 : i32
      %dma_start3A_417 = tpu.memref_slice %arg11[%dma_start3A_415, %dma_start3A_416] : memref<10240x128xf32, #tpu.memory_space<vmem_shared>> -> memref<10240x128xf32, #tpu.memory_space<vmem_shared>>
      tpu.enqueue_indirect_dma source(%arg7 : memref<80x128xf32, #tpu.memory_space<vmem>>) target(%dma_start3A_417 : memref<10240x128xf32, #tpu.memory_space<vmem_shared>>) offsets(%dma_start3A_414 : memref<80xi32, #tpu.memory_space<vmem>>) semaphore(%run_scoped3A_411 : memref<!tpu.dma_semaphore, #tpu.memory_space<semaphore_mem>>) {add = true}
      %dma_wait3A_418 = arith.constant 0 : i32
      %dma_wait3A_419 = tpu.memref_slice %arg6[%run_scoped3A, %dma_wait3A_418] : memref<4x80xi32, #tpu.memory_space<vmem>> -> memref<1x80xi32, #tpu.memory_space<vmem>>
      %dma_wait3A_420 = tpu.memref_squeeze %dma_wait3A_419 : memref<1x80xi32, #tpu.memory_space<vmem>> -> memref<80xi32, #tpu.memory_space<vmem>>
      %dma_wait3A_421 = arith.constant 0 : i32
      %dma_wait3A_422 = arith.constant 0 : i32
      %dma_wait3A_423 = tpu.memref_slice %arg11[%dma_wait3A_421, %dma_wait3A_422] : memref<10240x128xf32, #tpu.memory_space<vmem_shared>> -> memref<10240x128xf32, #tpu.memory_space<vmem_shared>>
      tpu.wait_indirect_dma semaphore(%run_scoped3A_411 : memref<!tpu.dma_semaphore, #tpu.memory_space<semaphore_mem>>) src(%arg7 : memref<80x128xf32, #tpu.memory_space<vmem>>) dst(%dma_wait3A_423 : memref<10240x128xf32, #tpu.memory_space<vmem_shared>>)
      tpu.yield
    }) : () -> ()
    %add3A_271 = arith.constant 9920 : i32
    %add3A_272 = arith.addi %mul3A_2, %add3A_271 : i32
    %min3A_273 = arith.constant 319920 : i32
    %min3A_274 = arith.minsi %add3A_272, %min3A_273 : i32
    %add3A_275 = arith.constant 320000 : i32
    %add3A_276 = arith.addi %add3A_275, %min3A_274 : i32
    %dma_start3A_277 = arith.constant 0 : i32
    %dma_start3A_278 = arith.constant 0 : i32
    %dma_start3A_279 = tpu.memref_slice %arg5[%dma_start3A_277, %dma_start3A_278] : memref<4x80xi32, #tpu.memory_space<vmem>> -> memref<1x80xi32, #tpu.memory_space<vmem>>
    %dma_start3A_280 = tpu.memref_squeeze %dma_start3A_279 : memref<1x80xi32, #tpu.memory_space<vmem>> -> memref<80xi32, #tpu.memory_space<vmem>>
    %dma_start3A_281 = tpu.memref_slice %arg3[%add3A_276] : memref<640000xi32, #tpu.memory_space<hbm>> -> memref<80xi32, #tpu.memory_space<hbm>>
    %dma_start3A_282 = arith.constant 0 : i32
    %dma_start3A_283 = tpu.memref_slice %arg5[%dma_start3A_277, %dma_start3A_282] : memref<4x80xi32, #tpu.memory_space<vmem>> -> memref<1x80xi32, #tpu.memory_space<vmem>>
    %dma_start3A_284 = tpu.memref_squeeze %dma_start3A_283 : memref<1x80xi32, #tpu.memory_space<vmem>> -> memref<80xi32, #tpu.memory_space<vmem>>
    %dma_start3A_285 = tpu.memref_slice %arg3[%add3A_276] : memref<640000xi32, #tpu.memory_space<hbm>> -> memref<80xi32, #tpu.memory_space<hbm>>
    tpu.enqueue_dma source(%dma_start3A_285 : memref<80xi32, #tpu.memory_space<hbm>>) target(%dma_start3A_284 : memref<80xi32, #tpu.memory_space<vmem>>) target_semaphore(%arg12 : memref<!tpu.dma_semaphore, #tpu.memory_space<semaphore_mem>>)
    %dma_start3A_286 = arith.constant 0 : i32
    %dma_start3A_287 = arith.constant 0 : i32
    %dma_start3A_288 = tpu.memref_slice %arg6[%dma_start3A_286, %dma_start3A_287] : memref<4x80xi32, #tpu.memory_space<vmem>> -> memref<1x80xi32, #tpu.memory_space<vmem>>
    %dma_start3A_289 = tpu.memref_squeeze %dma_start3A_288 : memref<1x80xi32, #tpu.memory_space<vmem>> -> memref<80xi32, #tpu.memory_space<vmem>>
    %dma_start3A_290 = tpu.memref_slice %arg3[%min3A_274] : memref<640000xi32, #tpu.memory_space<hbm>> -> memref<80xi32, #tpu.memory_space<hbm>>
    %dma_start3A_291 = arith.constant 0 : i32
    %dma_start3A_292 = tpu.memref_slice %arg6[%dma_start3A_286, %dma_start3A_291] : memref<4x80xi32, #tpu.memory_space<vmem>> -> memref<1x80xi32, #tpu.memory_space<vmem>>
    %dma_start3A_293 = tpu.memref_squeeze %dma_start3A_292 : memref<1x80xi32, #tpu.memory_space<vmem>> -> memref<80xi32, #tpu.memory_space<vmem>>
    %dma_start3A_294 = tpu.memref_slice %arg3[%min3A_274] : memref<640000xi32, #tpu.memory_space<hbm>> -> memref<80xi32, #tpu.memory_space<hbm>>
    tpu.enqueue_dma source(%dma_start3A_294 : memref<80xi32, #tpu.memory_space<hbm>>) target(%dma_start3A_293 : memref<80xi32, #tpu.memory_space<vmem>>) target_semaphore(%arg12 : memref<!tpu.dma_semaphore, #tpu.memory_space<semaphore_mem>>)
    %add3A_295 = arith.constant 9920 : i32
    %add3A_296 = arith.addi %mul3A_2, %add3A_295 : i32
    %min3A_297 = arith.constant 319920 : i32
    %min3A_298 = arith.minsi %add3A_296, %min3A_297 : i32
    %add3A_299 = arith.constant 320000 : i32
    %add3A_300 = arith.addi %add3A_299, %min3A_298 : i32
    %dma_wait3A_301 = arith.constant 0 : i32
    %dma_wait3A_302 = arith.constant 0 : i32
    %dma_wait3A_303 = tpu.memref_slice %arg5[%dma_wait3A_301, %dma_wait3A_302] : memref<4x80xi32, #tpu.memory_space<vmem>> -> memref<1x80xi32, #tpu.memory_space<vmem>>
    %dma_wait3A_304 = tpu.memref_squeeze %dma_wait3A_303 : memref<1x80xi32, #tpu.memory_space<vmem>> -> memref<80xi32, #tpu.memory_space<vmem>>
    %dma_wait3A_305 = tpu.memref_slice %arg3[%add3A_300] : memref<640000xi32, #tpu.memory_space<hbm>> -> memref<80xi32, #tpu.memory_space<hbm>>
    %dma_wait3A_306 = arith.constant 0 : i32
    %dma_wait3A_307 = tpu.memref_slice %arg5[%dma_wait3A_301, %dma_wait3A_306] : memref<4x80xi32, #tpu.memory_space<vmem>> -> memref<1x80xi32, #tpu.memory_space<vmem>>
    %dma_wait3A_308 = tpu.memref_squeeze %dma_wait3A_307 : memref<1x80xi32, #tpu.memory_space<vmem>> -> memref<80xi32, #tpu.memory_space<vmem>>
    %dma_wait3A_309 = tpu.memref_slice %arg3[%add3A_300] : memref<640000xi32, #tpu.memory_space<hbm>> -> memref<80xi32, #tpu.memory_space<hbm>>
    tpu.wait_dma2 semaphore(%arg12 : memref<!tpu.dma_semaphore, #tpu.memory_space<semaphore_mem>>) src(%dma_wait3A_309 : memref<80xi32, #tpu.memory_space<hbm>>) dst(%dma_wait3A_308 : memref<80xi32, #tpu.memory_space<vmem>>)
    %dma_wait3A_310 = arith.constant 0 : i32
    %dma_wait3A_311 = arith.constant 0 : i32
    %dma_wait3A_312 = tpu.memref_slice %arg6[%dma_wait3A_310, %dma_wait3A_311] : memref<4x80xi32, #tpu.memory_space<vmem>> -> memref<1x80xi32, #tpu.memory_space<vmem>>
    %dma_wait3A_313 = tpu.memref_squeeze %dma_wait3A_312 : memref<1x80xi32, #tpu.memory_space<vmem>> -> memref<80xi32, #tpu.memory_space<vmem>>
    %dma_wait3A_314 = tpu.memref_slice %arg3[%min3A_298] : memref<640000xi32, #tpu.memory_space<hbm>> -> memref<80xi32, #tpu.memory_space<hbm>>
    %dma_wait3A_315 = arith.constant 0 : i32
    %dma_wait3A_316 = tpu.memref_slice %arg6[%dma_wait3A_310, %dma_wait3A_315] : memref<4x80xi32, #tpu.memory_space<vmem>> -> memref<1x80xi32, #tpu.memory_space<vmem>>
    %dma_wait3A_317 = tpu.memref_squeeze %dma_wait3A_316 : memref<1x80xi32, #tpu.memory_space<vmem>> -> memref<80xi32, #tpu.memory_space<vmem>>
    %dma_wait3A_318 = tpu.memref_slice %arg3[%min3A_298] : memref<640000xi32, #tpu.memory_space<hbm>> -> memref<80xi32, #tpu.memory_space<hbm>>
    tpu.wait_dma2 semaphore(%arg12 : memref<!tpu.dma_semaphore, #tpu.memory_space<semaphore_mem>>) src(%dma_wait3A_318 : memref<80xi32, #tpu.memory_space<hbm>>) dst(%dma_wait3A_317 : memref<80xi32, #tpu.memory_space<vmem>>)
    %dma_start3A_319 = arith.constant 0 : i32
    %dma_start3A_320 = arith.constant 0 : i32
    %dma_start3A_321 = tpu.memref_slice %arg5[%dma_start3A_319, %dma_start3A_320] : memref<4x80xi32, #tpu.memory_space<vmem>> -> memref<1x80xi32, #tpu.memory_space<vmem>>
    %dma_start3A_322 = tpu.memref_squeeze %dma_start3A_321 : memref<1x80xi32, #tpu.memory_space<vmem>> -> memref<80xi32, #tpu.memory_space<vmem>>
    %dma_start3A_323 = arith.constant 0 : i32
    %dma_start3A_324 = arith.constant 0 : i32
    %dma_start3A_325 = tpu.memref_slice %arg2[%dma_start3A_323, %dma_start3A_324] : memref<10000x128xf32, #tpu.memory_space<hbm>> -> memref<10000x128xf32, #tpu.memory_space<hbm>>
    tpu.enqueue_indirect_dma source(%dma_start3A_325 : memref<10000x128xf32, #tpu.memory_space<hbm>>) target(%arg7 : memref<80x128xf32, #tpu.memory_space<vmem>>) offsets(%dma_start3A_322 : memref<80xi32, #tpu.memory_space<vmem>>) semaphore(%arg16 : memref<!tpu.dma_semaphore, #tpu.memory_space<semaphore_mem>>)
    %dma_wait3A_326 = arith.constant 1 : i32
    %dma_wait3A_327 = arith.constant 0 : i32
    %dma_wait3A_328 = tpu.memref_slice %arg5[%dma_wait3A_326, %dma_wait3A_327] : memref<4x80xi32, #tpu.memory_space<vmem>> -> memref<1x80xi32, #tpu.memory_space<vmem>>
    %dma_wait3A_329 = tpu.memref_squeeze %dma_wait3A_328 : memref<1x80xi32, #tpu.memory_space<vmem>> -> memref<80xi32, #tpu.memory_space<vmem>>
    %dma_wait3A_330 = arith.constant 0 : i32
    %dma_wait3A_331 = arith.constant 0 : i32
    %dma_wait3A_332 = tpu.memref_slice %arg2[%dma_wait3A_330, %dma_wait3A_331] : memref<10000x128xf32, #tpu.memory_space<hbm>> -> memref<10000x128xf32, #tpu.memory_space<hbm>>
    tpu.wait_indirect_dma semaphore(%arg17 : memref<!tpu.dma_semaphore, #tpu.memory_space<semaphore_mem>>) src(%dma_wait3A_332 : memref<10000x128xf32, #tpu.memory_space<hbm>>) dst(%arg8 : memref<80x128xf32, #tpu.memory_space<vmem>>)
    %run_scoped3A_333 = arith.constant 1 : i32
    "tpu.region"() ({
      %run_scoped3A_411 = tpu.sem_alloc : memref<!tpu.dma_semaphore, #tpu.memory_space<semaphore_mem>>
      %dma_start3A_412 = arith.constant 0 : i32
      %dma_start3A_413 = tpu.memref_slice %arg6[%run_scoped3A_333, %dma_start3A_412] : memref<4x80xi32, #tpu.memory_space<vmem>> -> memref<1x80xi32, #tpu.memory_space<vmem>>
      %dma_start3A_414 = tpu.memref_squeeze %dma_start3A_413 : memref<1x80xi32, #tpu.memory_space<vmem>> -> memref<80xi32, #tpu.memory_space<vmem>>
      %dma_start3A_415 = arith.constant 0 : i32
      %dma_start3A_416 = arith.constant 0 : i32
      %dma_start3A_417 = tpu.memref_slice %arg11[%dma_start3A_415, %dma_start3A_416] : memref<10240x128xf32, #tpu.memory_space<vmem_shared>> -> memref<10240x128xf32, #tpu.memory_space<vmem_shared>>
      tpu.enqueue_indirect_dma source(%arg8 : memref<80x128xf32, #tpu.memory_space<vmem>>) target(%dma_start3A_417 : memref<10240x128xf32, #tpu.memory_space<vmem_shared>>) offsets(%dma_start3A_414 : memref<80xi32, #tpu.memory_space<vmem>>) semaphore(%run_scoped3A_411 : memref<!tpu.dma_semaphore, #tpu.memory_space<semaphore_mem>>) {add = true}
      %dma_wait3A_418 = arith.constant 0 : i32
      %dma_wait3A_419 = tpu.memref_slice %arg6[%run_scoped3A_333, %dma_wait3A_418] : memref<4x80xi32, #tpu.memory_space<vmem>> -> memref<1x80xi32, #tpu.memory_space<vmem>>
      %dma_wait3A_420 = tpu.memref_squeeze %dma_wait3A_419 : memref<1x80xi32, #tpu.memory_space<vmem>> -> memref<80xi32, #tpu.memory_space<vmem>>
      %dma_wait3A_421 = arith.constant 0 : i32
      %dma_wait3A_422 = arith.constant 0 : i32
      %dma_wait3A_423 = tpu.memref_slice %arg11[%dma_wait3A_421, %dma_wait3A_422] : memref<10240x128xf32, #tpu.memory_space<vmem_shared>> -> memref<10240x128xf32, #tpu.memory_space<vmem_shared>>
      tpu.wait_indirect_dma semaphore(%run_scoped3A_411 : memref<!tpu.dma_semaphore, #tpu.memory_space<semaphore_mem>>) src(%arg8 : memref<80x128xf32, #tpu.memory_space<vmem>>) dst(%dma_wait3A_423 : memref<10240x128xf32, #tpu.memory_space<vmem_shared>>)
      tpu.yield
    }) : () -> ()
    %add3A_334 = arith.constant 10000 : i32
    %add3A_335 = arith.addi %mul3A_2, %add3A_334 : i32
    %min3A_336 = arith.constant 319920 : i32
    %min3A_337 = arith.minsi %add3A_335, %min3A_336 : i32
    %add3A_338 = arith.constant 320000 : i32
    %add3A_339 = arith.addi %add3A_338, %min3A_337 : i32
    %dma_start3A_340 = arith.constant 1 : i32
    %dma_start3A_341 = arith.constant 0 : i32
    %dma_start3A_342 = tpu.memref_slice %arg5[%dma_start3A_340, %dma_start3A_341] : memref<4x80xi32, #tpu.memory_space<vmem>> -> memref<1x80xi32, #tpu.memory_space<vmem>>
    %dma_start3A_343 = tpu.memref_squeeze %dma_start3A_342 : memref<1x80xi32, #tpu.memory_space<vmem>> -> memref<80xi32, #tpu.memory_space<vmem>>
    %dma_start3A_344 = tpu.memref_slice %arg3[%add3A_339] : memref<640000xi32, #tpu.memory_space<hbm>> -> memref<80xi32, #tpu.memory_space<hbm>>
    %dma_start3A_345 = arith.constant 0 : i32
    %dma_start3A_346 = tpu.memref_slice %arg5[%dma_start3A_340, %dma_start3A_345] : memref<4x80xi32, #tpu.memory_space<vmem>> -> memref<1x80xi32, #tpu.memory_space<vmem>>
    %dma_start3A_347 = tpu.memref_squeeze %dma_start3A_346 : memref<1x80xi32, #tpu.memory_space<vmem>> -> memref<80xi32, #tpu.memory_space<vmem>>
    %dma_start3A_348 = tpu.memref_slice %arg3[%add3A_339] : memref<640000xi32, #tpu.memory_space<hbm>> -> memref<80xi32, #tpu.memory_space<hbm>>
    tpu.enqueue_dma source(%dma_start3A_348 : memref<80xi32, #tpu.memory_space<hbm>>) target(%dma_start3A_347 : memref<80xi32, #tpu.memory_space<vmem>>) target_semaphore(%arg13 : memref<!tpu.dma_semaphore, #tpu.memory_space<semaphore_mem>>)
    %dma_start3A_349 = arith.constant 1 : i32
    %dma_start3A_350 = arith.constant 0 : i32
    %dma_start3A_351 = tpu.memref_slice %arg6[%dma_start3A_349, %dma_start3A_350] : memref<4x80xi32, #tpu.memory_space<vmem>> -> memref<1x80xi32, #tpu.memory_space<vmem>>
    %dma_start3A_352 = tpu.memref_squeeze %dma_start3A_351 : memref<1x80xi32, #tpu.memory_space<vmem>> -> memref<80xi32, #tpu.memory_space<vmem>>
    %dma_start3A_353 = tpu.memref_slice %arg3[%min3A_337] : memref<640000xi32, #tpu.memory_space<hbm>> -> memref<80xi32, #tpu.memory_space<hbm>>
    %dma_start3A_354 = arith.constant 0 : i32
    %dma_start3A_355 = tpu.memref_slice %arg6[%dma_start3A_349, %dma_start3A_354] : memref<4x80xi32, #tpu.memory_space<vmem>> -> memref<1x80xi32, #tpu.memory_space<vmem>>
    %dma_start3A_356 = tpu.memref_squeeze %dma_start3A_355 : memref<1x80xi32, #tpu.memory_space<vmem>> -> memref<80xi32, #tpu.memory_space<vmem>>
    %dma_start3A_357 = tpu.memref_slice %arg3[%min3A_337] : memref<640000xi32, #tpu.memory_space<hbm>> -> memref<80xi32, #tpu.memory_space<hbm>>
    tpu.enqueue_dma source(%dma_start3A_357 : memref<80xi32, #tpu.memory_space<hbm>>) target(%dma_start3A_356 : memref<80xi32, #tpu.memory_space<vmem>>) target_semaphore(%arg13 : memref<!tpu.dma_semaphore, #tpu.memory_space<semaphore_mem>>)
    %dma_wait3A_358 = arith.constant 2 : i32
    %dma_wait3A_359 = arith.constant 0 : i32
    %dma_wait3A_360 = tpu.memref_slice %arg5[%dma_wait3A_358, %dma_wait3A_359] : memref<4x80xi32, #tpu.memory_space<vmem>> -> memref<1x80xi32, #tpu.memory_space<vmem>>
    %dma_wait3A_361 = tpu.memref_squeeze %dma_wait3A_360 : memref<1x80xi32, #tpu.memory_space<vmem>> -> memref<80xi32, #tpu.memory_space<vmem>>
    %dma_wait3A_362 = arith.constant 0 : i32
    %dma_wait3A_363 = arith.constant 0 : i32
    %dma_wait3A_364 = tpu.memref_slice %arg2[%dma_wait3A_362, %dma_wait3A_363] : memref<10000x128xf32, #tpu.memory_space<hbm>> -> memref<10000x128xf32, #tpu.memory_space<hbm>>
    tpu.wait_indirect_dma semaphore(%arg18 : memref<!tpu.dma_semaphore, #tpu.memory_space<semaphore_mem>>) src(%dma_wait3A_364 : memref<10000x128xf32, #tpu.memory_space<hbm>>) dst(%arg9 : memref<80x128xf32, #tpu.memory_space<vmem>>)
    %run_scoped3A_365 = arith.constant 2 : i32
    "tpu.region"() ({
      %run_scoped3A_411 = tpu.sem_alloc : memref<!tpu.dma_semaphore, #tpu.memory_space<semaphore_mem>>
      %dma_start3A_412 = arith.constant 0 : i32
      %dma_start3A_413 = tpu.memref_slice %arg6[%run_scoped3A_365, %dma_start3A_412] : memref<4x80xi32, #tpu.memory_space<vmem>> -> memref<1x80xi32, #tpu.memory_space<vmem>>
      %dma_start3A_414 = tpu.memref_squeeze %dma_start3A_413 : memref<1x80xi32, #tpu.memory_space<vmem>> -> memref<80xi32, #tpu.memory_space<vmem>>
      %dma_start3A_415 = arith.constant 0 : i32
      %dma_start3A_416 = arith.constant 0 : i32
      %dma_start3A_417 = tpu.memref_slice %arg11[%dma_start3A_415, %dma_start3A_416] : memref<10240x128xf32, #tpu.memory_space<vmem_shared>> -> memref<10240x128xf32, #tpu.memory_space<vmem_shared>>
      tpu.enqueue_indirect_dma source(%arg9 : memref<80x128xf32, #tpu.memory_space<vmem>>) target(%dma_start3A_417 : memref<10240x128xf32, #tpu.memory_space<vmem_shared>>) offsets(%dma_start3A_414 : memref<80xi32, #tpu.memory_space<vmem>>) semaphore(%run_scoped3A_411 : memref<!tpu.dma_semaphore, #tpu.memory_space<semaphore_mem>>) {add = true}
      %dma_wait3A_418 = arith.constant 0 : i32
      %dma_wait3A_419 = tpu.memref_slice %arg6[%run_scoped3A_365, %dma_wait3A_418] : memref<4x80xi32, #tpu.memory_space<vmem>> -> memref<1x80xi32, #tpu.memory_space<vmem>>
      %dma_wait3A_420 = tpu.memref_squeeze %dma_wait3A_419 : memref<1x80xi32, #tpu.memory_space<vmem>> -> memref<80xi32, #tpu.memory_space<vmem>>
      %dma_wait3A_421 = arith.constant 0 : i32
      %dma_wait3A_422 = arith.constant 0 : i32
      %dma_wait3A_423 = tpu.memref_slice %arg11[%dma_wait3A_421, %dma_wait3A_422] : memref<10240x128xf32, #tpu.memory_space<vmem_shared>> -> memref<10240x128xf32, #tpu.memory_space<vmem_shared>>
      tpu.wait_indirect_dma semaphore(%run_scoped3A_411 : memref<!tpu.dma_semaphore, #tpu.memory_space<semaphore_mem>>) src(%arg9 : memref<80x128xf32, #tpu.memory_space<vmem>>) dst(%dma_wait3A_423 : memref<10240x128xf32, #tpu.memory_space<vmem_shared>>)
      tpu.yield
    }) : () -> ()
    %dma_wait3A_366 = arith.constant 3 : i32
    %dma_wait3A_367 = arith.constant 0 : i32
    %dma_wait3A_368 = tpu.memref_slice %arg5[%dma_wait3A_366, %dma_wait3A_367] : memref<4x80xi32, #tpu.memory_space<vmem>> -> memref<1x80xi32, #tpu.memory_space<vmem>>
    %dma_wait3A_369 = tpu.memref_squeeze %dma_wait3A_368 : memref<1x80xi32, #tpu.memory_space<vmem>> -> memref<80xi32, #tpu.memory_space<vmem>>
    %dma_wait3A_370 = arith.constant 0 : i32
    %dma_wait3A_371 = arith.constant 0 : i32
    %dma_wait3A_372 = tpu.memref_slice %arg2[%dma_wait3A_370, %dma_wait3A_371] : memref<10000x128xf32, #tpu.memory_space<hbm>> -> memref<10000x128xf32, #tpu.memory_space<hbm>>
    tpu.wait_indirect_dma semaphore(%arg19 : memref<!tpu.dma_semaphore, #tpu.memory_space<semaphore_mem>>) src(%dma_wait3A_372 : memref<10000x128xf32, #tpu.memory_space<hbm>>) dst(%arg10 : memref<80x128xf32, #tpu.memory_space<vmem>>)
    %run_scoped3A_373 = arith.constant 3 : i32
    "tpu.region"() ({
      %run_scoped3A_411 = tpu.sem_alloc : memref<!tpu.dma_semaphore, #tpu.memory_space<semaphore_mem>>
      %dma_start3A_412 = arith.constant 0 : i32
      %dma_start3A_413 = tpu.memref_slice %arg6[%run_scoped3A_373, %dma_start3A_412] : memref<4x80xi32, #tpu.memory_space<vmem>> -> memref<1x80xi32, #tpu.memory_space<vmem>>
      %dma_start3A_414 = tpu.memref_squeeze %dma_start3A_413 : memref<1x80xi32, #tpu.memory_space<vmem>> -> memref<80xi32, #tpu.memory_space<vmem>>
      %dma_start3A_415 = arith.constant 0 : i32
      %dma_start3A_416 = arith.constant 0 : i32
      %dma_start3A_417 = tpu.memref_slice %arg11[%dma_start3A_415, %dma_start3A_416] : memref<10240x128xf32, #tpu.memory_space<vmem_shared>> -> memref<10240x128xf32, #tpu.memory_space<vmem_shared>>
      tpu.enqueue_indirect_dma source(%arg10 : memref<80x128xf32, #tpu.memory_space<vmem>>) target(%dma_start3A_417 : memref<10240x128xf32, #tpu.memory_space<vmem_shared>>) offsets(%dma_start3A_414 : memref<80xi32, #tpu.memory_space<vmem>>) semaphore(%run_scoped3A_411 : memref<!tpu.dma_semaphore, #tpu.memory_space<semaphore_mem>>) {add = true}
      %dma_wait3A_418 = arith.constant 0 : i32
      %dma_wait3A_419 = tpu.memref_slice %arg6[%run_scoped3A_373, %dma_wait3A_418] : memref<4x80xi32, #tpu.memory_space<vmem>> -> memref<1x80xi32, #tpu.memory_space<vmem>>
      %dma_wait3A_420 = tpu.memref_squeeze %dma_wait3A_419 : memref<1x80xi32, #tpu.memory_space<vmem>> -> memref<80xi32, #tpu.memory_space<vmem>>
      %dma_wait3A_421 = arith.constant 0 : i32
      %dma_wait3A_422 = arith.constant 0 : i32
      %dma_wait3A_423 = tpu.memref_slice %arg11[%dma_wait3A_421, %dma_wait3A_422] : memref<10240x128xf32, #tpu.memory_space<vmem_shared>> -> memref<10240x128xf32, #tpu.memory_space<vmem_shared>>
      tpu.wait_indirect_dma semaphore(%run_scoped3A_411 : memref<!tpu.dma_semaphore, #tpu.memory_space<semaphore_mem>>) src(%arg10 : memref<80x128xf32, #tpu.memory_space<vmem>>) dst(%dma_wait3A_423 : memref<10240x128xf32, #tpu.memory_space<vmem_shared>>)
      tpu.yield
    }) : () -> ()
    %dma_wait3A_374 = arith.constant 0 : i32
    %dma_wait3A_375 = arith.constant 0 : i32
    %dma_wait3A_376 = tpu.memref_slice %arg5[%dma_wait3A_374, %dma_wait3A_375] : memref<4x80xi32, #tpu.memory_space<vmem>> -> memref<1x80xi32, #tpu.memory_space<vmem>>
    %dma_wait3A_377 = tpu.memref_squeeze %dma_wait3A_376 : memref<1x80xi32, #tpu.memory_space<vmem>> -> memref<80xi32, #tpu.memory_space<vmem>>
    %dma_wait3A_378 = arith.constant 0 : i32
    %dma_wait3A_379 = arith.constant 0 : i32
    %dma_wait3A_380 = tpu.memref_slice %arg2[%dma_wait3A_378, %dma_wait3A_379] : memref<10000x128xf32, #tpu.memory_space<hbm>> -> memref<10000x128xf32, #tpu.memory_space<hbm>>
    tpu.wait_indirect_dma semaphore(%arg16 : memref<!tpu.dma_semaphore, #tpu.memory_space<semaphore_mem>>) src(%dma_wait3A_380 : memref<10000x128xf32, #tpu.memory_space<hbm>>) dst(%arg7 : memref<80x128xf32, #tpu.memory_space<vmem>>)
    %run_scoped3A_381 = arith.constant 0 : i32
    "tpu.region"() ({
      %run_scoped3A_411 = tpu.sem_alloc : memref<!tpu.dma_semaphore, #tpu.memory_space<semaphore_mem>>
      %dma_start3A_412 = arith.constant 0 : i32
      %dma_start3A_413 = tpu.memref_slice %arg6[%run_scoped3A_381, %dma_start3A_412] : memref<4x80xi32, #tpu.memory_space<vmem>> -> memref<1x80xi32, #tpu.memory_space<vmem>>
      %dma_start3A_414 = tpu.memref_squeeze %dma_start3A_413 : memref<1x80xi32, #tpu.memory_space<vmem>> -> memref<80xi32, #tpu.memory_space<vmem>>
      %dma_start3A_415 = arith.constant 0 : i32
      %dma_start3A_416 = arith.constant 0 : i32
      %dma_start3A_417 = tpu.memref_slice %arg11[%dma_start3A_415, %dma_start3A_416] : memref<10240x128xf32, #tpu.memory_space<vmem_shared>> -> memref<10240x128xf32, #tpu.memory_space<vmem_shared>>
      tpu.enqueue_indirect_dma source(%arg7 : memref<80x128xf32, #tpu.memory_space<vmem>>) target(%dma_start3A_417 : memref<10240x128xf32, #tpu.memory_space<vmem_shared>>) offsets(%dma_start3A_414 : memref<80xi32, #tpu.memory_space<vmem>>) semaphore(%run_scoped3A_411 : memref<!tpu.dma_semaphore, #tpu.memory_space<semaphore_mem>>) {add = true}
      %dma_wait3A_418 = arith.constant 0 : i32
      %dma_wait3A_419 = tpu.memref_slice %arg6[%run_scoped3A_381, %dma_wait3A_418] : memref<4x80xi32, #tpu.memory_space<vmem>> -> memref<1x80xi32, #tpu.memory_space<vmem>>
      %dma_wait3A_420 = tpu.memref_squeeze %dma_wait3A_419 : memref<1x80xi32, #tpu.memory_space<vmem>> -> memref<80xi32, #tpu.memory_space<vmem>>
      %dma_wait3A_421 = arith.constant 0 : i32
      %dma_wait3A_422 = arith.constant 0 : i32
      %dma_wait3A_423 = tpu.memref_slice %arg11[%dma_wait3A_421, %dma_wait3A_422] : memref<10240x128xf32, #tpu.memory_space<vmem_shared>> -> memref<10240x128xf32, #tpu.memory_space<vmem_shared>>
      tpu.wait_indirect_dma semaphore(%run_scoped3A_411 : memref<!tpu.dma_semaphore, #tpu.memory_space<semaphore_mem>>) src(%arg7 : memref<80x128xf32, #tpu.memory_space<vmem>>) dst(%dma_wait3A_423 : memref<10240x128xf32, #tpu.memory_space<vmem_shared>>)
      tpu.yield
    }) : () -> ()
    %add3A_382 = arith.constant 10000 : i32
    %add3A_383 = arith.addi %mul3A_2, %add3A_382 : i32
    %min3A_384 = arith.constant 319920 : i32
    %min3A_385 = arith.minsi %add3A_383, %min3A_384 : i32
    %add3A_386 = arith.constant 320000 : i32
    %add3A_387 = arith.addi %add3A_386, %min3A_385 : i32
    %dma_wait3A_388 = arith.constant 1 : i32
    %dma_wait3A_389 = arith.constant 0 : i32
    %dma_wait3A_390 = tpu.memref_slice %arg5[%dma_wait3A_388, %dma_wait3A_389] : memref<4x80xi32, #tpu.memory_space<vmem>> -> memref<1x80xi32, #tpu.memory_space<vmem>>
    %dma_wait3A_391 = tpu.memref_squeeze %dma_wait3A_390 : memref<1x80xi32, #tpu.memory_space<vmem>> -> memref<80xi32, #tpu.memory_space<vmem>>
    %dma_wait3A_392 = tpu.memref_slice %arg3[%add3A_387] : memref<640000xi32, #tpu.memory_space<hbm>> -> memref<80xi32, #tpu.memory_space<hbm>>
    %dma_wait3A_393 = arith.constant 0 : i32
    %dma_wait3A_394 = tpu.memref_slice %arg5[%dma_wait3A_388, %dma_wait3A_393] : memref<4x80xi32, #tpu.memory_space<vmem>> -> memref<1x80xi32, #tpu.memory_space<vmem>>
    %dma_wait3A_395 = tpu.memref_squeeze %dma_wait3A_394 : memref<1x80xi32, #tpu.memory_space<vmem>> -> memref<80xi32, #tpu.memory_space<vmem>>
    %dma_wait3A_396 = tpu.memref_slice %arg3[%add3A_387] : memref<640000xi32, #tpu.memory_space<hbm>> -> memref<80xi32, #tpu.memory_space<hbm>>
    tpu.wait_dma2 semaphore(%arg13 : memref<!tpu.dma_semaphore, #tpu.memory_space<semaphore_mem>>) src(%dma_wait3A_396 : memref<80xi32, #tpu.memory_space<hbm>>) dst(%dma_wait3A_395 : memref<80xi32, #tpu.memory_space<vmem>>)
    %dma_wait3A_397 = arith.constant 1 : i32
    %dma_wait3A_398 = arith.constant 0 : i32
    %dma_wait3A_399 = tpu.memref_slice %arg6[%dma_wait3A_397, %dma_wait3A_398] : memref<4x80xi32, #tpu.memory_space<vmem>> -> memref<1x80xi32, #tpu.memory_space<vmem>>
    %dma_wait3A_400 = tpu.memref_squeeze %dma_wait3A_399 : memref<1x80xi32, #tpu.memory_space<vmem>> -> memref<80xi32, #tpu.memory_space<vmem>>
    %dma_wait3A_401 = tpu.memref_slice %arg3[%min3A_385] : memref<640000xi32, #tpu.memory_space<hbm>> -> memref<80xi32, #tpu.memory_space<hbm>>
    %dma_wait3A_402 = arith.constant 0 : i32
    %dma_wait3A_403 = tpu.memref_slice %arg6[%dma_wait3A_397, %dma_wait3A_402] : memref<4x80xi32, #tpu.memory_space<vmem>> -> memref<1x80xi32, #tpu.memory_space<vmem>>
    %dma_wait3A_404 = tpu.memref_squeeze %dma_wait3A_403 : memref<1x80xi32, #tpu.memory_space<vmem>> -> memref<80xi32, #tpu.memory_space<vmem>>
    %dma_wait3A_405 = tpu.memref_slice %arg3[%min3A_385] : memref<640000xi32, #tpu.memory_space<hbm>> -> memref<80xi32, #tpu.memory_space<hbm>>
    tpu.wait_dma2 semaphore(%arg13 : memref<!tpu.dma_semaphore, #tpu.memory_space<semaphore_mem>>) src(%dma_wait3A_405 : memref<80xi32, #tpu.memory_space<hbm>>) dst(%dma_wait3A_404 : memref<80xi32, #tpu.memory_space<vmem>>)
    %barrier3A_406 = arith.constant 0 : index
    tpu.barrier barrier_id(%barrier3A_406)
    %mul3A_407 = arith.constant 640 : i32
    %mul3A_408 = arith.muli %arg1, %mul3A_407 : i32
    %mul3A_409 = arith.constant 640 : i32
    %mul3A_410 = arith.muli %arg1, %mul3A_409 : i32
    "tpu.region"() ({
      %run_scoped3A_411 = tpu.sem_alloc : memref<!tpu.dma_semaphore, #tpu.memory_space<semaphore_mem>>
      %dma_start3A_412 = arith.constant 0 : i32
      %dma_start3A_413 = tpu.memref_slice %arg4[%arg0, %mul3A_410, %dma_start3A_412] : memref<2x10240x128xf32, #tpu.memory_space<hbm>> -> memref<1x640x128xf32, #tpu.memory_space<hbm>>
      %dma_start3A_414 = tpu.memref_squeeze %dma_start3A_413 : memref<1x640x128xf32, #tpu.memory_space<hbm>> -> memref<640x128xf32, #tpu.memory_space<hbm>>
      %dma_start3A_415 = arith.constant 0 : i32
      %dma_start3A_416 = tpu.memref_slice %arg11[%mul3A_408, %dma_start3A_415] : memref<10240x128xf32, #tpu.memory_space<vmem_shared>> -> memref<640x128xf32, #tpu.memory_space<vmem_shared>>
      tpu.enqueue_dma source(%dma_start3A_416 : memref<640x128xf32, #tpu.memory_space<vmem_shared>>) target(%dma_start3A_414 : memref<640x128xf32, #tpu.memory_space<hbm>>) target_semaphore(%run_scoped3A_411 : memref<!tpu.dma_semaphore, #tpu.memory_space<semaphore_mem>>)
      %dma_wait3A_417 = arith.constant 0 : i32
      %dma_wait3A_418 = tpu.memref_slice %arg4[%arg0, %mul3A_410, %dma_wait3A_417] : memref<2x10240x128xf32, #tpu.memory_space<hbm>> -> memref<1x640x128xf32, #tpu.memory_space<hbm>>
      %dma_wait3A_419 = tpu.memref_squeeze %dma_wait3A_418 : memref<1x640x128xf32, #tpu.memory_space<hbm>> -> memref<640x128xf32, #tpu.memory_space<hbm>>
      %dma_wait3A_420 = arith.constant 0 : i32
      %dma_wait3A_421 = tpu.memref_slice %arg11[%mul3A_408, %dma_wait3A_420] : memref<10240x128xf32, #tpu.memory_space<vmem_shared>> -> memref<640x128xf32, #tpu.memory_space<vmem_shared>>
      tpu.wait_dma2 semaphore(%run_scoped3A_411 : memref<!tpu.dma_semaphore, #tpu.memory_space<semaphore_mem>>) src(%dma_wait3A_421 : memref<640x128xf32, #tpu.memory_space<vmem_shared>>) dst(%dma_wait3A_419 : memref<640x128xf32, #tpu.memory_space<hbm>>)
      tpu.yield
    }) : () -> ()
    return
  }
}

module attributes {stable_mosaic.version = 14 : i64} {
  func.func @_mm_body(%arg0: i32, %arg1: memref<2x2000x128xf32, #tpu.memory_space<vmem>>, %arg2: memref<128x128xf32, #tpu.memory_space<vmem>>, %arg3: memref<2000x128xf32, #tpu.memory_space<vmem>>) attributes {dimension_semantics = [#tpu.dimension_semantics<arbitrary>], iteration_bounds = array<i64: 5>, scalar_prefetch = 0 : i64, scratch_operands = 0 : i64, tpu.core_type = #tpu.core_type<tc>, window_params = [{transform_indices = @transform_0, window_bounds = array<i64: 2, 2000, 128>}, {pipeline_mode = #tpu.pipeline_mode<synchronous>, transform_indices = @transform_1, window_bounds = array<i64: 128, 128>}, {transform_indices = @transform_2, window_bounds = array<i64: 2000, 128>}]} {
    %get3A = arith.constant 0 : index
    %get3A_0 = arith.constant 0 : index
    %get3A_1 = arith.constant 0 : index
    %get3A_2 = vector.load %arg1[%get3A, %get3A_0, %get3A_1] : memref<2x2000x128xf32, #tpu.memory_space<vmem>>, vector<1x2000x128xf32>
    %get3A_3 = vector.shape_cast %get3A_2 : vector<1x2000x128xf32> to vector<2000x128xf32>
    %get3A_4 = arith.constant 1 : index
    %get3A_5 = arith.constant 0 : index
    %get3A_6 = arith.constant 0 : index
    %get3A_7 = vector.load %arg1[%get3A_4, %get3A_5, %get3A_6] : memref<2x2000x128xf32, #tpu.memory_space<vmem>>, vector<1x2000x128xf32>
    %get3A_8 = vector.shape_cast %get3A_7 : vector<1x2000x128xf32> to vector<2000x128xf32>
    %add3A = arith.addf %get3A_3, %get3A_8 : vector<2000x128xf32>
    %get3A_9 = arith.constant 0 : index
    %get3A_10 = arith.constant 0 : index
    %get3A_11 = vector.load %arg2[%get3A_9, %get3A_10] : memref<128x128xf32, #tpu.memory_space<vmem>>, vector<128x128xf32>
    %dot_general3A = arith.constant dense<0.000000e+00> : vector<2000x128xf32>
    %dot_general3A_12 = tpu.matmul %add3A, %get3A_11, %dot_general3A {dimension_numbers = #tpu.dot_dimension_numbers<[1], [1], [0], [0], [0, 0, 1, 0], [], []>, transpose_lhs_hint = false} : vector<2000x128xf32>, vector<128x128xf32>, vector<2000x128xf32> -> vector<2000x128xf32>
    %swap3A = arith.constant 0 : index
    %swap3A_13 = arith.constant 0 : index
    %swap3A_14 = vector.load %arg3[%swap3A, %swap3A_13] : memref<2000x128xf32, #tpu.memory_space<vmem>>, vector<2000x128xf32>
    tpu.vector_store %arg3[%swap3A, %swap3A_13], %dot_general3A_12 {strides = array<i32>} : memref<2000x128xf32, #tpu.memory_space<vmem>>, vector<2000x128xf32>,
    return
  }
  func.func @transform_0(%arg0: i32) -> (i32, i32, i32) {
    %c0_i32 = arith.constant 0 : i32
    %c0_i32_0 = arith.constant 0 : i32
    %c0_i32_1 = arith.constant 0 : i32
    return %c0_i32, %arg0, %c0_i32_0 : i32, i32, i32
  }
  func.func @transform_1(%arg0: i32) -> (i32, i32) {
    %c0_i32 = arith.constant 0 : i32
    %c0_i32_0 = arith.constant 0 : i32
    %c0_i32_1 = arith.constant 0 : i32
    return %c0_i32, %c0_i32_0 : i32, i32
  }
  func.func @transform_2(%arg0: i32) -> (i32, i32) {
    %c0_i32 = arith.constant 0 : i32
    %c0_i32_0 = arith.constant 0 : i32
    return %arg0, %c0_i32 : i32, i32
  }
}

</mosaic_0001>

<sc_bundles>
// kernel: kernel.4.cloned.1.call-start
scs
__scs_entry_jumppad:
0x0: {  	(pc) =	sbr.rel $0x88, $3  }
0x1: {  	(tag) =	ssettag $0x0;
	lr =	simm.s32 $0x1  }
0x2: {  	[smem:$0x3F9E] =	sst lr;
	_ =	strace $0xD0000000  }
0x3: {  	_ = 	snop  }
0x4: {  	_ = 	snop  }
0x5: {  	_ = 	snop  }
0x6: {  	_ = 	snop  }
0x7: {  	_ = 	snop  }
__scs_overlays_trampoline_lowered:
0x8: {  	[smem:$0x3FAD] =	sst s0  }
0x9: {  	[smem:$0x3FAE] =	sst s1  }
0xa: {  	[smem:$0x3FAF] =	sst s2  }
0xb: {  	[smem:$0x3FB0] =	sst s3  }
0xc: {  	[smem:$0x3FB1] =	sst s4  }
0xd: {  	[smem:$0x3FB2] =	sst s5  }
0xe: {  	[smem:$0x3FB3] =	sst s6  }
0xf: {  	[smem:$0x3FB4] =	sst s7  }
0x10: {  	[smem:$0x3FB5] =	sst s8  }
0x11: {  	[smem:$0x3FB6] =	sst s9;
	s0 =	simm.s32 @!p0 $0x0  }
0x12: {  	s1 =	sld [smem:$0x3F9C];
	s0 =	simm.s32 @p0 $0x1  }
0x13: {  	[smem:$0x3FB7] =	sst s0;
	s0 =	simm.s32 @!p1 $0x0  }
0x14: {  	s2 =	sld [smem:$0x3F9B];
	s0 =	simm.s32 @p1 $0x1  }
0x15: {  	[smem:$0x3FB8] =	sst s0;
	s0 =	simm.s32 @!p2 $0x0  }
0x16: {  	s3 =	sld [smem:$0x3FDB];
	s0 =	simm.s32 @p2 $0x1  }
0x17: {  	s4 =	simm.s32 $0x1BF5;
	[smem:$0x3FBA] =	sst s0  }
0x18: {  	s0 =	sld [smem:$0x3F9D];
	_ =	swait.ge [sflag:s4], $0x0  }
0x19: {  	s7 =	sld [smem:$0x3F9E]  }
0x1a: {  	s8 =	sadd.s32 $0xFFFFE003, lr  }
0x1b: {  	s9 =	sadd.s32 $0xFFFFFEF7, lr;
	s5 =	simm.s32 $0xFFFFFFFF;
	p2 =	slt.u32 s8, $0xFFFFF086  }
0x1c: {  	p1 =	slt.u32 s9, $0xF7A;
	s5 =	simm.s32 @!p2 $0x0  }
0x1d: {  	s5 =	simm.s32 @p1 $0x1;
	p0 =	seq.s32 s7, s2  }
0x1e: {  	s7 =	smul.u32 @!p0 $0xF7A, s2;
	p2 =	seq.s32 @!p0 s5, $0x0  }
0x1f: {  	s9 =	smul.u32 $0xF7A, s1;
	s8 =	simm.s32 @!p0 $0x1BF5;
	p2 =	por !p2, p0  }
0x20: {  	[sflag:s8] =	ssyncset.s32 @!p0 $0xFFFFF086;
	s6 =	sadd.s32 @!p0 s3, s7;
	s7 =	simm.s32 @!p0 $0x108  }
0x21: {  	s3 =	sadd.s32 s3, s9;
	s6 =	sadd.s32 @!p0 $0x88, s6;
	s7 =	simm.s32 @p2 $0x1082  }
0x22: {  	[simem:s7], [sflag:s8] =	dma.local @!p0 [hbm:s6], $0xF7A  }
0x23: {  	s9 =	sor.u32 $0xD0000000, s2;
	s6 =	simm.s32 $0x108;
	_ =	swait.ge @!p0 [sflag:s8], $0x0  }
0x24: {  	s3 =	sadd.s32 $0x88, s3;
	s6 =	simm.s32 @!p1 $0x1082;
	[sflag:s4] =	ssyncset.s32 $0xFFFFF086  }
0x25: {  	[simem:s6], [sflag:s4] =	dma.local [hbm:s3], $0xF7A  }
0x26: {  	[smem:$0x3F9E] =	sst s1;
	(tag) =	ssettag s2;
	_ =	strace s9  }
0x27: {  	s1 =	sld [smem:$0x3FAE]  }
0x28: {  	s2 =	sld [smem:$0x3FAF]  }
0x29: {  	s4 =	sld [smem:$0x3FB1]  }
0x2a: {  	p0 =	seq.s32 s5, $0x0;
	s5 =	sld [smem:$0x3FB2]  }
0x2b: {  	s6 =	sld [smem:$0x3FB3]  }
0x2c: {  	s7 =	sld [smem:$0x3FB4]  }
0x2d: {  	s3 =	simm.s32 $0x108;
	s8 =	sld [smem:$0x3FB5]  }
0x2e: {  	s3 =	simm.s32 @!p0 $0x1082;
	s9 =	sld [smem:$0x3FB6]  }
0x2f: {  	lr =	sadd.s32 s0, s3;
	s0 =	sld [smem:$0x3FAD]  }
0x30: {  	s3 =	sld [smem:$0x3FB0]  }
0x31: {  	[smem:$0x3FB9] =	sst s10  }
0x32: {  	s10 =	sld [smem:$0x3FB7];
	_ =	sdelay $0x3  }
0x33: {  	p0 =	seq.s32 s10, $0x1;
	s10 =	sld [smem:$0x3FB9];
	_ =	sdelay $0x3  }
0x34: {  	[smem:$0x3FB9] =	sst s10  }
0x35: {  	s10 =	sld [smem:$0x3FB8];
	_ =	sdelay $0x3  }
0x36: {  	p1 =	seq.s32 s10, $0x1;
	s10 =	sld [smem:$0x3FB9];
	_ =	sdelay $0x3  }
0x37: {  	[smem:$0x3FB9] =	sst s10  }
0x38: {  	s10 =	sld [smem:$0x3FBA]  }
0x39: {  	_ = 	snop;
	(pc) =	sbr.ind lr, $3  }
0x3a: {  	_ = 	snop  }
0x3b: {  	_ = 	snop  }
0x3c: {  	p2 =	seq.s32 s10, $0x1;
	s10 =	sld [smem:$0x3FB9]  }
0x3d: {  	_ =	shalt  }
0x3e: {  	_ =	shalt  }
0x3f: {  	_ =	shalt  }
0x40: {  	_ =	shalt  }
0x41: {  	_ =	shalt  }
0x42: {  	_ =	shalt  }
0x43: {  	_ =	shalt  }
0x44: {  	_ =	shalt  }
0x45: {  	_ =	shalt  }
0x46: {  	_ =	shalt  }
0x47: {  	_ =	shalt  }
0x48: {  	_ =	shalt  }
0x49: {  	_ =	shalt  }
0x4a: {  	_ =	shalt  }
0x4b: {  	_ =	shalt  }
0x4c: {  	_ =	shalt  }
0x4d: {  	_ =	shalt  }
0x4e: {  	_ =	shalt  }
0x4f: {  	_ =	shalt  }
0x50: {  	_ =	shalt  }
0x51: {  	_ =	shalt  }
0x52: {  	_ =	shalt  }
0x53: {  	_ =	shalt  }
0x54: {  	_ =	shalt  }
0x55: {  	_ =	shalt  }
0x56: {  	_ =	shalt  }
0x57: {  	_ =	shalt  }
0x58: {  	_ =	shalt  }
0x59: {  	_ =	shalt  }
0x5a: {  	_ =	shalt  }
0x5b: {  	_ =	shalt  }
0x5c: {  	_ =	shalt  }
0x5d: {  	_ =	shalt  }
0x5e: {  	_ =	shalt  }
0x5f: {  	_ =	shalt  }
0x60: {  	_ =	shalt  }
0x61: {  	_ =	shalt  }
0x62: {  	_ =	shalt  }
0x63: {  	_ =	shalt  }
0x64: {  	_ =	shalt  }
0x65: {  	_ =	shalt  }
0x66: {  	_ =	shalt  }
0x67: {  	_ =	shalt  }
0x68: {  	_ =	shalt  }
0x69: {  	_ =	shalt  }
0x6a: {  	_ =	shalt  }
0x6b: {  	_ =	shalt  }
0x6c: {  	_ =	shalt  }
0x6d: {  	_ =	shalt  }
0x6e: {  	_ =	shalt  }
0x6f: {  	_ =	shalt  }
0x70: {  	_ =	shalt  }
0x71: {  	_ =	shalt  }
0x72: {  	_ =	shalt  }
0x73: {  	_ =	shalt  }
0x74: {  	_ =	shalt  }
0x75: {  	_ =	shalt  }
0x76: {  	_ =	shalt  }
0x77: {  	_ =	shalt  }
0x78: {  	_ =	shalt  }
0x79: {  	_ =	shalt  }
0x7a: {  	_ =	shalt  }
0x7b: {  	_ =	shalt  }
0x7c: {  	_ =	shalt  }
0x7d: {  	_ =	shalt  }
0x7e: {  	_ =	shalt  }
0x7f: {  	_ =	shalt  }
0x80: {  	_ =	shalt  }
0x81: {  	_ =	shalt  }
0x82: {  	_ =	shalt  }
0x83: {  	_ =	shalt  }
0x84: {  	_ =	shalt  }
0x85: {  	_ =	shalt  }
0x86: {  	_ =	shalt  }
0x87: {  	_ =	shalt  }
.Lfunc_end0:
.L_simem_size_0:
called_computation_lowered:
.L_overlay_start_0:
0x88: {  	s2 =	sld [smem:$0x3FD9]  }
0x89: {  	s3 =	sld [smem:$0x3FFE];
	_ =	sdelay $0x1  }
0x8a: {  	s1 =	srdreg.scid  }
0x8b: {  	s0 =	sand.u32 $0x1, s1  }
0x8c: {  	s17 =	sshll.u32 s0, $0xA;
	s2 =	sadd.s32 s3, s2  }
0x8d: {  	s2 =	sadd.s32 s2, s17  }
0x8e: {  	[smem:$0x3FC5] =	sst s2  }
0x8f: {  	_ = 	snop  }
0x90: {  	s2 =	sld [smem:$0x3FC9]  }
0x91: {  	s18 =	sld [smem:$0x3FD0];
	(tm) =	ssettm $0x1  }
0x92: {  	s4 =	sld [smem:$0x3FFB];
	_ =	sdelay $0x3  }
0x93: {  	_ =	strace s4  }
0x94: {  	s4 =	sld [smem:$0x3FFC];
	_ =	sdelay $0x3  }
0x95: {  	_ =	strace s4  }
0x96: {  	s4 =	sld [smem:$0x3FFD];
	_ =	sdelay $0x3  }
0x97: {  	_ =	strace s4  }
0x98: {  	_ =	strace $0x8FFFFFFF  }
0x99: {  	s19 =	sld [smem:$0x3FDB];
	_ =	sdelay $0x1  }
0x9a: {  	s5 =	simm.s32 $_scs_section_size  }
0x9b: {  	s6 =	simm.s32 $_size__tile_overlayer_lowered;
	s7 =	simm.s32 $_tile_overlayer_lowered  }
0x9c: {  	s22 =	simm.s32 $0x1BFF;
	s21 =	sshll.u32 s7, $0x1;
	s4 =	sadd.s32 s5, s19  }
0x9d: {  	s8 =	simm.s32 $0x0;
	s20 =	sshll.u32 s6, $0x1;
	s6 =	sadd.s32 s21, s4  }
0x9e: {  	[timem:s8], [sflag:s22] =	dma.local [hbm:s6], s20  }
0x9f: {  	_ =	swait.ge [sflag:s22], s20  }
0xa0: {  	s5 =	ssub.s32 $0x0, s20;
	[sflag:s22] =	ssyncset.done $0x0  }
0xa1: {  	[sflag:s22] =	ssyncadd.s32 s5;
	_ =	sdelay $0x1  }
0xa2: {  	s23 =	simm.s32 $0x1B8B  }
0xa3: {  	_ =	swait.ge [sflag:s23], $0x1  }
0xa4: {  	[sflag:s23] =	ssyncset.done $0x0  }
0xa5: {  	s25 =	simm.s32 $0x1B8E;
	s24 =	sld [smem:$0x3FFE];
	[sflag:s23] =	ssyncadd.s32 $0xFFFFFFFF  }
0xa6: {  	s26 =	simm.s32 $execute0_lowered;
	[smem:$0x3FD2] =	sst s25  }
0xa7: {  	s6 =	sshll.u32 s26, $0x1;
	_ =	strace $0x80000046;
	[dreg:$0x1] =	wrdreg $0xFFFFFFFF  }
0xa8: {  	s28 =	simm.s32 $_size_execute0_lowered;
	s4 =	sadd.s32 s4, s6;
	[dreg:$0x0] =	wrdreg $0x0  }
0xa9: {  	s6 =	sshll.u32 s28, $0x1;
	[dreg:$0x2] =	wrdreg s4  }
0xaa: {  	[dreg:$0x3] =	wrdreg s6  }
0xab: {  	[dreg:$0x4] =	wrdreg $0xC0  }
0xac: {  	_ =	task [dreg:s8], $0x5FFFF  }
0xad: {  	[dreg:$0x1] =	wrdreg $0xFFFFFFFF  }
0xae: {  	[dreg:$0x0] =	wrdreg $0x60  }
0xaf: {  	[dreg:$0x2] =	wrdreg s2  }
0xb0: {  	[dreg:$0x3] =	wrdreg s18  }
0xb1: {  	[dreg:$0x4] =	wrdreg s24  }
0xb2: {  	[dreg:$0x5] =	wrdreg $0xA4000  }
0xb3: {  	[dreg:$0x6] =	wrdreg $0x9  }
0xb4: {  	_ =	task.clear_ibuf [dreg:s8], $0x7FFFF;
	_ =	strace $0x90000046  }
0xb5: {  	s29 =	simm.s32 $0x9;
	_ =	strace $0x80000048  }
0xb6: {  	_ =	swait.ge [sflag:s29], $0x1  }
0xb7: {  	[sflag:s29] =	ssyncadd.s32 $0xFFFFFFFF  }
0xb8: {  	_ =	strace $0x90000048  }
0xb9: {  	_ =	sfence  }
0xba: {  	s30 =	sld [smem:$0x0];
	_ =	sdelay $0x2  }
0xbb: {  	s31 =	sshll.u32 s1, $0xD;
	s1 =	sshrl.u32 s1, $0x2  }
0xbc: {  	s3 =	sand.u32 $0x4000, s31;
	s1 =	sadd.s32 s1, s30  }
0xbd: {  	s0 =	sor.u32 s3, s0;
	s1 =	sshll.u32 s1, $0x11  }
0xbe: {  	s0 =	sor.u32 s1, s0  }
0xbf: {  	s0 =	sadd.s32 $0x8F2B, s0  }
0xc0: {  	[sflag:s0] =	ssyncadd.remote.s32 $0x1  }
0xc1: {  	_ =	sfence.sel $0xFFFF  }
0xc2: {  	[dreg:$0x0] =	wrdreg $0xFFFFFFFF;
	(pc) =	sbr.abs _section_cstart, $3  }
0xc3: {  	[dreg:$0x1] =	wrdreg $0xFFFFFFFF  }
0xc4: {  	_ =	task.clear_ibuf [dreg:s8], $0x2FFFF;
	_ =	strace $0x9FFFFFFF  }
0xc5: {  	(tm) =	ssettm $0x7FFFFFFF  }
tec
execute0_lowered:
.L_overlay_start_1:
0x0: {  	(tag) =	ssettag $0x1  }
0x1: {  	s1 =	rddreg [dreg:$0x0]  }
0x2: {  	s2 =	rddreg [dreg:$0x1]  }
0x3: {  	s0 =	rddreg [dreg:$0x2];
	s11 =	stileid.u32  }
0x4: {  	s3 =	srdreg.scid;
	s8 =	smul.u32 $0x14000, s11  }
0x5: {  	s5 =	simm.s32 $0x0;
	s3 =	sand.u32 $0x1, s3;
	s14 =	smul.u32 $0x2710, s11  }
0x6: {  	[smem:$0x7FF] =	sst s5;
	s6 =	smul.u32 $0x140000, s3  }
0x7: {  	s7 =	sshll.u32 s3, $0x4;
	s25 =	ssub.s32 $0x2, s3;
	s3 =	smul.u32 $0x27100, s3  }
0x8: {  	s4 =	rddreg [dreg:$0x3];
	s26 =	smul.u32 $0x50000, s11;
	_ =	strace $0x80000047  }
0x9: {  	s7 =	sor.u32 s11, s7;
	s10 =	sshrl.u32 s25, $0x1;
	s3 =	sadd.s32 s14, s3  }
0xa: {  	s7 =	smul.u32 $0x2710, s7;
	s6 =	sadd.s32 s8, s6;
	s22 =	sadd.s32 $0x4E430, s3  }
0xb: {  	s6 =	sshrl.u32 s6, $0x3;
	s24 =	sadd.s32 $0x230, s3;
	s8 =	sshrl.u32 s22, $0x3  }
0xc: {  	s9 =	sshrl.u32 s7, $0x3;
	s0 =	sadd.s32 s6, s0;
	s8 =	sadd.s32 s8, s2  }
0xd: {  	s12 =	sadd.s32 s2, s9;
	s0 =	sadd.s32 $0x800, s0;
	[dreg:$0x5] =	wrdreg s8  }
0xe: {  	s9 =	sshrl.u32 s24, $0x3;
	s24 =	sadd.s32 $0x140, s3;
	[dreg:$0x1d] =	wrdreg s0  }
0xf: {  	s6 =	ssub.s32 s25, s10;
	s10 =	sshrl.u32 s26, $0x2;
	[dreg:$0x1f] =	wrdreg s24  }
0x10: {  	s25 =	sadd.s32 s10, s4;
	[dreg:$0xc] =	wrdreg s12  }
0x11: {  	s28 =	sadd.s32 $0x9C40, s12;
	[dreg:$0x10] =	wrdreg s25  }
0x12: {  	s30 =	simm.s32 $0x200;
	s29 =	sadd.s32 $0x9C4A, s12;
	[dreg:$0xd] =	wrdreg s28  }
0x13: {  	s31 =	simm.s32 $0x80;
	s13 =	sadd.s32 $0xA, s12;
	[dreg:$0xe] =	wrdreg s29  }
0x14: {  	s11 =	sadd.s32 $0x1E0, s3;
	s15 =	sadd.s32 $0x2800, s25;
	[dreg:$0xf] =	wrdreg s13  }
0x15: {  	s14 =	sadd.s32 $0x4E390, s3;
	s16 =	sadd.s32 $0x5000, s25;
	[dreg:$0x11] =	wrdreg s15  }
0x16: {  	s26 =	sadd.s32 $0x4E3E0, s3;
	s17 =	sadd.s32 $0x7800, s25;
	[dreg:$0x12] =	wrdreg s16  }
0x17: {  	s7 =	smin.u32 s7, $0x4BAA0;
	s18 =	sadd.s32 $0xA000, s25;
	[dreg:$0x13] =	wrdreg s17  }
0x18: {  	s7 =	sshrl.u32 s7, $0x3;
	s19 =	sadd.s32 $0xC800, s25;
	[dreg:$0x14] =	wrdreg s18  }
0x19: {  	s20 =	sadd.s32 $0xF000, s25;
	s21 =	sadd.s32 $0x11800, s25;
	[dreg:$0x15] =	wrdreg s19  }
0x1a: {  	s23 =	sadd.s32 $0x9C54, s12;
	s7 =	sadd.s32 s2, s7;
	[dreg:$0x16] =	wrdreg s20  }
0x1b: {  	s0 =	simm.s32 $0x280;
	s24 =	simm.s32 $0x8;
	[dreg:$0x17] =	wrdreg s21  }
0x1c: {  	[dreg:$0x18] =	wrdreg s23;
	s28 =	sadd.s32 s9, s2;
	s29 =	sshrl.u32 s26, $0x3  }
0x1d: {  	s13 =	sshrl.u32 s11, $0x3;
	s15 =	sadd.s32 $0x14, s12;
	s9 =	sshrl.u32 s14, $0x3  }
0x1e: {  	s17 =	sadd.s32 $0x190, s3;
	s19 =	sadd.s32 $0x4E340, s3;
	s21 =	sadd.s32 $0x9C5E, s12  }
0x1f: {  	s22 =	sadd.s32 $0xA122, s7;
	s7 =	sadd.s32 $0x4E2, s7;
	[dreg:$0x6] =	wrdreg s28  }
0x20: {  	s23 =	smax.u32 s6, $0x1;
	s26 =	sadd.s32 $0x1E, s12;
	[dreg:$0x19] =	wrdreg s15  }
0x21: {  	s3 =	simm.s32 $0x400;
	s11 =	simm.s32 $0x2;
	[dreg:$0x1a] =	wrdreg s21  }
0x22: {  	s14 =	simm.s32 $0x300;
	s10 =	sadd.s32 s29, s2;
	[dreg:$0x1b] =	wrdreg s22  }
0x23: {  	s8 =	sadd.s32 s13, s2;
	s16 =	sadd.s32 s9, s2;
	[dreg:$0x1c] =	wrdreg s7  }
0x24: {  	s18 =	sshrl.u32 s17, $0x3;
	s9 =	sshrl.u32 s19, $0x3;
	[dreg:$0x1e] =	wrdreg s23  }
0x25: {  	[smem:$0x7FB] =	sst s26;
	s28 =	sadd.s32 $0xA118, s12;
	s29 =	sadd.s32 $0x4D8, s12  }
0x26: {  	s7 =	simm.s32 $0x9;
	s12 =	simm.s32 $0x2C00;
	s13 =	simm.s32 $0x100  }
0x27: {  	s15 =	simm.s32 $0x180;
	s17 =	simm.s32 $0x3;
	[dreg:$0x7] =	wrdreg s10  }
0x28: {  	s19 =	simm.s32 $0x4;
	s21 =	simm.s32 $0x5;
	[dreg:$0x8] =	wrdreg s8  }
0x29: {  	s22 =	simm.s32 $0x6;
	s23 =	simm.s32 $0x7;
	[dreg:$0x9] =	wrdreg s16  }
0x2a: {  	s26 =	simm.s32 $0x0;
	s8 =	sadd.s32 s18, s2;
	[smem:$0x7FC] =	sst s28  }
0x2b: {  	s20 =	sadd.s32 s9, s2;
	[smem:$0x7FD] =	sst s29;
	s9 =	simm.s32 $0x50  }
0x2c: {  	s16 =	simm.s32 $0x380;
	s18 =	simm.s32 $0x5400;
	[dreg:$0xa] =	wrdreg s8  }
0x2d: {  	v0 =	vimm.f32 $0.0e+00;
	[dreg:$0xb] =	wrdreg s20;
	s8 =	simm.s32 $0x1;
	s20 =	simm.s32 $0x7C00  }
.LBB2_1:
0x2e: {  	s6 =	rddreg [dreg:$0xd]  }
0x2f: {  	[tilespmem:s5], [sflag:$0x1] =	stream.linear.gather [hbm4b:s6+s5], $0x50, $0x38;
	[tilespmem:$0x1E400] =	vst v63  }
0x30: {  	s29 =	rddreg [dreg:$0xc]  }
0x31: {  	[tilespmem:s30], [sflag:$0x1] =	stream.linear.gather [hbm4b:s29+s5], $0x50, $0x38;
	[tilespmem:$0x1E400] =	vst v63  }
0x32: {  	s10 =	rddreg [dreg:$0xe]  }
0x33: {  	[tilespmem:s31], [sflag:$0x2] =	stream.linear.gather [hbm4b:s10+s5], $0x50, $0x38;
	[tilespmem:$0x1E400] =	vst v63  }
0x34: {  	s28 =	simm.s32 $0x200;
	s6 =	simm.s32 $0x0;
	s29 =	rddreg [dreg:$0xf]  }
0x35: {  	[tilespmem:s0], [sflag:$0x2] =	stream.linear.gather [hbm4b:s29+s5], $0x50, $0x38;
	[tilespmem:$0x1E400] =	vst v63  }
.LBB2_2:
0x36: {  	p0 =	sne.s32 s28, $0x9E00;
	[tilespmem:s6+$0x470] =	vst v0  }
0x37: {  	[tilespmem:s6+$0x400] =	vst v0  }
0x38: {  	[tilespmem:s6+$0x410] =	vst v0  }
.Ltmp0:
0x39: {  	[tilespmem:s6+$0x420] =	vst v0;
	(pc) =	sbr.rel @p0 .LBB2_2-.Ltmp0, $4  }
0x3a: {  	[tilespmem:s6+$0x430] =	vst v0  }
0x3b: {  	[tilespmem:s6+$0x440] =	vst v0  }
0x3c: {  	[tilespmem:s6+$0x450] =	vst v0  }
0x3d: {  	[tilespmem:s6+$0x460] =	vst v0;
	s6 =	sshra.s32 s28, $0x2;
	s28 =	sadd.s32 $0x200, s28  }
0x3e: {  	[tilespmem:s6+$0x470] =	vst v0  }
0x3f: {  	[tilespmem:s6+$0x400] =	vst v0  }
0x40: {  	[tilespmem:s6+$0x410] =	vst v0  }
0x41: {  	[tilespmem:s6+$0x420] =	vst v0  }
0x42: {  	[tilespmem:s6+$0x430] =	vst v0  }
0x43: {  	[tilespmem:s6+$0x440] =	vst v0  }
0x44: {  	[tilespmem:s6+$0x450] =	vst v0  }
0x45: {  	[tilespmem:s6+$0x460] =	vst v0  }
0x46: {  	[spmem:s25] =	stream.linear.scatter [tilespmem:s3], [sflag:$0x9], $0x2800, $0x38;
	[tilespmem:$0x1E400] =	vst v63  }
0x47: {  	_ =	swait.ge [sflag:s7], $0x2800  }
0x48: {  	[sflag:s7] =	ssyncset.done $0x0  }
0x49: {  	s10 =	rddreg [dreg:$0x11];
	[sflag:s7] =	ssyncadd.s32 $0xFFFFD800  }
0x4a: {  	[spmem:s10] =	stream.linear.scatter [tilespmem:s3], [sflag:$0x9], $0x2800, $0x38;
	[tilespmem:$0x1E400] =	vst v63  }
0x4b: {  	_ =	swait.ge [sflag:s7], $0x2800  }
0x4c: {  	[sflag:s7] =	ssyncset.done $0x0  }
0x4d: {  	s25 =	rddreg [dreg:$0x12];
	[sflag:s7] =	ssyncadd.s32 $0xFFFFD800  }
0x4e: {  	[spmem:s25] =	stream.linear.scatter [tilespmem:s3], [sflag:$0x9], $0x2800, $0x38;
	[tilespmem:$0x1E400] =	vst v63  }
0x4f: {  	_ =	swait.ge [sflag:s7], $0x2800  }
0x50: {  	[sflag:s7] =	ssyncset.done $0x0  }
0x51: {  	s10 =	rddreg [dreg:$0x13];
	[sflag:s7] =	ssyncadd.s32 $0xFFFFD800  }
0x52: {  	[spmem:s10] =	stream.linear.scatter [tilespmem:s3], [sflag:$0x9], $0x2800, $0x38;
	[tilespmem:$0x1E400] =	vst v63  }
0x53: {  	_ =	swait.ge [sflag:s7], $0x2800  }
0x54: {  	[sflag:s7] =	ssyncset.done $0x0  }
0x55: {  	s25 =	rddreg [dreg:$0x14];
	[sflag:s7] =	ssyncadd.s32 $0xFFFFD800  }
0x56: {  	[spmem:s25] =	stream.linear.scatter [tilespmem:s3], [sflag:$0x9], $0x2800, $0x38;
	[tilespmem:$0x1E400] =	vst v63  }
0x57: {  	_ =	swait.ge [sflag:s7], $0x2800  }
0x58: {  	[sflag:s7] =	ssyncset.done $0x0  }
0x59: {  	s10 =	rddreg [dreg:$0x15];
	[sflag:s7] =	ssyncadd.s32 $0xFFFFD800  }
0x5a: {  	[spmem:s10] =	stream.linear.scatter [tilespmem:s3], [sflag:$0x9], $0x2800, $0x38;
	[tilespmem:$0x1E400] =	vst v63  }
0x5b: {  	_ =	swait.ge [sflag:s7], $0x2800  }
0x5c: {  	[sflag:s7] =	ssyncset.done $0x0  }
0x5d: {  	s25 =	rddreg [dreg:$0x16];
	[sflag:s7] =	ssyncadd.s32 $0xFFFFD800  }
0x5e: {  	[spmem:s25] =	stream.linear.scatter [tilespmem:s3], [sflag:$0x9], $0x2800, $0x38;
	[tilespmem:$0x1E400] =	vst v63  }
0x5f: {  	_ =	swait.ge [sflag:s7], $0x2800  }
0x60: {  	[sflag:s7] =	ssyncset.done $0x0  }
0x61: {  	s10 =	rddreg [dreg:$0x17];
	[sflag:s7] =	ssyncadd.s32 $0xFFFFD800  }
0x62: {  	[spmem:s10] =	stream.linear.scatter [tilespmem:s3], [sflag:$0x9], $0x2800, $0x38;
	[tilespmem:$0x1E400] =	vst v63  }
0x63: {  	_ =	swait.ge [sflag:s7], $0x2800  }
0x64: {  	[sflag:s7] =	ssyncset.done $0x0  }
0x65: {  	[sflag:s7] =	ssyncadd.s32 $0xFFFFD800  }
0x66: {  	_ =	swait.ge [sflag:s8], $0x50  }
0x67: {  	[sflag:s8] =	ssyncset.done $0x0  }
0x68: {  	[sflag:s8] =	ssyncadd.s32 $0xFFFFFFB0  }
0x69: {  	_ =	swait.ge [sflag:s8], $0x50  }
0x6a: {  	[sflag:s8] =	ssyncset.done $0x0  }
0x6b: {  	s6 =	simm.s32 $0x0;
	[sflag:s8] =	ssyncadd.s32 $0xFFFFFFB0  }
0x6c: {  	[tilespmem:s3], [sflag:$0x5] =	stream.indirect.gather [hbm4b:s1+s9], $0x80, s6, s9, $0xb8;
	[tilespmem:$0x1E400] =	vst v63  }
0x6d: {  	_ =	swait.ge [sflag:s11], $0x50  }
0x6e: {  	[sflag:s11] =	ssyncset.done $0x0  }
0x6f: {  	[sflag:s11] =	ssyncadd.s32 $0xFFFFFFB0  }
0x70: {  	_ =	swait.ge [sflag:s11], $0x50  }
0x71: {  	[sflag:s11] =	ssyncset.done $0x0  }
0x72: {  	[sflag:s11] =	ssyncadd.s32 $0xFFFFFFB0  }
0x73: {  	[tilespmem:s12], [sflag:$0x6] =	stream.indirect.gather [hbm4b:s1+s9], $0x80, s31, s9, $0xb8;
	[tilespmem:$0x1E400] =	vst v63  }
0x74: {  	s10 =	rddreg [dreg:$0x18]  }
0x75: {  	[tilespmem:s13], [sflag:$0x3] =	stream.linear.gather [hbm4b:s10+s6], $0x50, $0x38;
	[tilespmem:$0x1E400] =	vst v63  }
0x76: {  	s25 =	rddreg [dreg:$0x19]  }
0x77: {  	[tilespmem:s14], [sflag:$0x3] =	stream.linear.gather [hbm4b:s25+s6], $0x50, $0x38;
	[tilespmem:$0x1E400] =	vst v63  }
0x78: {  	s25 =	rddreg [dreg:$0x1a]  }
0x79: {  	[tilespmem:s15], [sflag:$0x4] =	stream.linear.gather [hbm4b:s25+s6], $0x50, $0x38;
	[tilespmem:$0x1E400] =	vst v63  }
0x7a: {  	s25 =	sld [smem:$0x7FB];
	_ =	sdelay $0x2  }
0x7b: {  	[tilespmem:s16], [sflag:$0x4] =	stream.linear.gather [hbm4b:s25+s6], $0x50, $0x38;
	[tilespmem:$0x1E400] =	vst v63  }
0x7c: {  	_ =	swait.ge [sflag:s17], $0x50  }
0x7d: {  	[sflag:s17] =	ssyncset.done $0x0  }
0x7e: {  	[sflag:s17] =	ssyncadd.s32 $0xFFFFFFB0  }
0x7f: {  	_ =	swait.ge [sflag:s17], $0x50  }
0x80: {  	[sflag:s17] =	ssyncset.done $0x0  }
0x81: {  	[sflag:s17] =	ssyncadd.s32 $0xFFFFFFB0  }
0x82: {  	[tilespmem:s18], [sflag:$0x7] =	stream.indirect.gather [hbm4b:s1+s9], $0x80, s13, s9, $0xb8;
	[tilespmem:$0x1E400] =	vst v63  }
0x83: {  	[bflag:$0x0] =	sbarrier.arrive $0xFFFF  }
0x84: {  	_ =	swait.ge [sflag:s19], $0x50  }
0x85: {  	[sflag:s19] =	ssyncset.done $0x0  }
0x86: {  	[sflag:s19] =	ssyncadd.s32 $0xFFFFFFB0  }
0x87: {  	_ =	swait.ge [sflag:s19], $0x50  }
0x88: {  	[sflag:s19] =	ssyncset.done $0x0  }
0x89: {  	[sflag:s19] =	ssyncadd.s32 $0xFFFFFFB0  }
0x8a: {  	[tilespmem:s20], [sflag:$0x8] =	stream.indirect.gather [hbm4b:s1+s9], $0x80, s15, s9, $0xb8;
	[tilespmem:$0x1E400] =	vst v63  }
0x8b: {  	_ =	swait.ge [sflag:s21], $0x2800  }
0x8c: {  	[sflag:s21] =	ssyncset.done $0x0  }
0x8d: {  	[sflag:s21] =	ssyncadd.s32 $0xFFFFD800  }
0x8e: {  	[spmem:s4] =	stream.indirect.scatter.add.f32 [tilespmem:s3], [sflag:$0x9], $0x80, s30, s9, $0xb8;
	[tilespmem:$0x1E400] =	vst v63  }
0x8f: {  	_ =	swait.ge [sflag:s7], $0x2800  }
0x90: {  	s10 =	rddreg [dreg:$0xb]  }
0x91: {  	[sflag:s7] =	ssyncset.done $0x0;
	s6 =	sadd.s32 $0x0, s10;
	s10 =	rddreg [dreg:$0x1f]  }
0x92: {  	[sflag:s7] =	ssyncadd.s32 $0xFFFFD800;
	s28 =	sshrl.u32 s10, $0x3  }
0x93: {  	[tilespmem:s5], [sflag:$0x1] =	stream.linear.gather [hbm4b:s6+s5], $0x50, $0x38;
	[tilespmem:$0x1E400] =	vst v63  }
0x94: {  	s25 =	sadd.s32 s2, s28  }
0x95: {  	[tilespmem:s30], [sflag:$0x1] =	stream.linear.gather [hbm4b:s25+s5], $0x50, $0x38;
	[tilespmem:$0x1E400] =	vst v63  }
0x96: {  	_ =	swait.ge [sflag:s8], $0x50  }
0x97: {  	[sflag:s8] =	ssyncset.done $0x0  }
0x98: {  	[sflag:s8] =	ssyncadd.s32 $0xFFFFFFB0  }
0x99: {  	_ =	swait.ge [sflag:s8], $0x50  }
0x9a: {  	[sflag:s8] =	ssyncset.done $0x0  }
0x9b: {  	[sflag:s8] =	ssyncadd.s32 $0xFFFFFFB0  }
0x9c: {  	[tilespmem:s3], [sflag:$0x5] =	stream.indirect.gather [hbm4b:s1+s9], $0x80, s5, s9, $0xb8;
	[tilespmem:$0x1E400] =	vst v63  }
0x9d: {  	_ =	swait.ge [sflag:s22], $0x2800  }
0x9e: {  	[sflag:s22] =	ssyncset.done $0x0  }
0x9f: {  	[sflag:s22] =	ssyncadd.s32 $0xFFFFD800  }
0xa0: {  	[spmem:s4] =	stream.indirect.scatter.add.f32 [tilespmem:s12], [sflag:$0x9], $0x80, s0, s9, $0xb8;
	[tilespmem:$0x1E400] =	vst v63  }
0xa1: {  	_ =	swait.ge [sflag:s7], $0x2800  }
0xa2: {  	s25 =	rddreg [dreg:$0x9];
	[sflag:s7] =	ssyncset.done $0x0  }
0xa3: {  	s28 =	rddreg [dreg:$0xa];
	[sflag:s7] =	ssyncadd.s32 $0xFFFFD800;
	s6 =	sadd.s32 $0x0, s25  }
0xa4: {  	[tilespmem:s31], [sflag:$0x2] =	stream.linear.gather [hbm4b:s6+s5], $0x50, $0x38;
	[tilespmem:$0x1E400] =	vst v63  }
0xa5: {  	s25 =	sadd.s32 $0x0, s28  }
0xa6: {  	[tilespmem:s0], [sflag:$0x2] =	stream.linear.gather [hbm4b:s25+s5], $0x50, $0x38;
	[tilespmem:$0x1E400] =	vst v63  }
0xa7: {  	_ =	swait.ge [sflag:s11], $0x50  }
0xa8: {  	[sflag:s11] =	ssyncset.done $0x0  }
0xa9: {  	[sflag:s11] =	ssyncadd.s32 $0xFFFFFFB0  }
0xaa: {  	_ =	swait.ge [sflag:s11], $0x50  }
0xab: {  	[sflag:s11] =	ssyncset.done $0x0  }
0xac: {  	[sflag:s11] =	ssyncadd.s32 $0xFFFFFFB0  }
0xad: {  	[tilespmem:s12], [sflag:$0x6] =	stream.indirect.gather [hbm4b:s1+s9], $0x80, s31, s9, $0xb8;
	[tilespmem:$0x1E400] =	vst v63  }
0xae: {  	_ =	swait.ge [sflag:s23], $0x2800  }
0xaf: {  	[sflag:s23] =	ssyncset.done $0x0  }
0xb0: {  	[sflag:s23] =	ssyncadd.s32 $0xFFFFD800  }
0xb1: {  	[spmem:s4] =	stream.indirect.scatter.add.f32 [tilespmem:s18], [sflag:$0x9], $0x80, s14, s9, $0xb8;
	[tilespmem:$0x1E400] =	vst v63  }
0xb2: {  	_ =	swait.ge [sflag:s7], $0x2800  }
0xb3: {  	s25 =	rddreg [dreg:$0x7];
	[sflag:s7] =	ssyncset.done $0x0  }
0xb4: {  	s28 =	rddreg [dreg:$0x8];
	[sflag:s7] =	ssyncadd.s32 $0xFFFFD800;
	s6 =	sadd.s32 $0x0, s25  }
0xb5: {  	[tilespmem:s13], [sflag:$0x3] =	stream.linear.gather [hbm4b:s6+s5], $0x50, $0x38;
	[tilespmem:$0x1E400] =	vst v63  }
0xb6: {  	s25 =	sadd.s32 $0x0, s28  }
0xb7: {  	[tilespmem:s14], [sflag:$0x3] =	stream.linear.gather [hbm4b:s25+s5], $0x50, $0x38;
	[tilespmem:$0x1E400] =	vst v63  }
0xb8: {  	_ =	swait.ge [sflag:s17], $0x50  }
0xb9: {  	[sflag:s17] =	ssyncset.done $0x0  }
0xba: {  	[sflag:s17] =	ssyncadd.s32 $0xFFFFFFB0  }
0xbb: {  	_ =	swait.ge [sflag:s17], $0x50  }
0xbc: {  	[sflag:s17] =	ssyncset.done $0x0  }
0xbd: {  	[sflag:s17] =	ssyncadd.s32 $0xFFFFFFB0  }
0xbe: {  	[tilespmem:s18], [sflag:$0x7] =	stream.indirect.gather [hbm4b:s1+s9], $0x80, s13, s9, $0xb8;
	[tilespmem:$0x1E400] =	vst v63  }
0xbf: {  	_ =	swait.ge [sflag:s24], $0x2800  }
0xc0: {  	[sflag:s24] =	ssyncset.done $0x0  }
0xc1: {  	[sflag:s24] =	ssyncadd.s32 $0xFFFFD800  }
0xc2: {  	[spmem:s4] =	stream.indirect.scatter.add.f32 [tilespmem:s20], [sflag:$0x9], $0x80, s16, s9, $0xb8;
	[tilespmem:$0x1E400] =	vst v63  }
0xc3: {  	_ =	swait.ge [sflag:s7], $0x2800  }
0xc4: {  	s25 =	rddreg [dreg:$0x5];
	[sflag:s7] =	ssyncset.done $0x0  }
0xc5: {  	s29 =	rddreg [dreg:$0x6];
	[sflag:s7] =	ssyncadd.s32 $0xFFFFD800;
	s6 =	sadd.s32 $0x0, s25  }
0xc6: {  	[tilespmem:s15], [sflag:$0x4] =	stream.linear.gather [hbm4b:s6+s5], $0x50, $0x38;
	[tilespmem:$0x1E400] =	vst v63  }
0xc7: {  	s28 =	simm.s32 $0x28;
	s6 =	sadd.s32 $0x0, s29;
	s29 =	sadd.s32 $0x140, s10  }
.LBB2_4:
0xc8: {  	[tilespmem:s16], [sflag:$0x4] =	stream.linear.gather [hbm4b:s6+s5], $0x50, $0x38;
	[tilespmem:$0x1E400] =	vst v63  }
0xc9: {  	_ =	swait.ge [sflag:s19], $0x50  }
0xca: {  	[sflag:s19] =	ssyncset.done $0x0  }
0xcb: {  	[sflag:s19] =	ssyncadd.s32 $0xFFFFFFB0  }
0xcc: {  	_ =	swait.ge [sflag:s19], $0x50  }
0xcd: {  	[sflag:s19] =	ssyncset.done $0x0  }
0xce: {  	[sflag:s19] =	ssyncadd.s32 $0xFFFFFFB0  }
0xcf: {  	[tilespmem:s20], [sflag:$0x8] =	stream.indirect.gather [hbm4b:s1+s9], $0x80, s15, s9, $0xb8;
	[tilespmem:$0x1E400] =	vst v63  }
0xd0: {  	_ =	swait.ge [sflag:s21], $0x2800  }
0xd1: {  	[sflag:s21] =	ssyncset.done $0x0  }
0xd2: {  	[sflag:s21] =	ssyncadd.s32 $0xFFFFD800  }
0xd3: {  	[spmem:s4] =	stream.indirect.scatter.add.f32 [tilespmem:s3], [sflag:$0x9], $0x80, s30, s9, $0xb8;
	[tilespmem:$0x1E400] =	vst v63  }
0xd4: {  	_ =	swait.ge [sflag:s7], $0x2800  }
0xd5: {  	s6 =	smov.u32 s28;
	s25 =	rddreg [dreg:$0xb];
	[sflag:s7] =	ssyncset.done $0x0  }
0xd6: {  	s10 =	sshrl.u32 s29, $0x3;
	[sflag:s7] =	ssyncadd.s32 $0xFFFFD800;
	s25 =	sadd.s32 s6, s25  }
0xd7: {  	[tilespmem:s5], [sflag:$0x1] =	stream.linear.gather [hbm4b:s25+s5], $0x50, $0x38;
	[tilespmem:$0x1E400] =	vst v63  }
0xd8: {  	s10 =	sadd.s32 s2, s10  }
0xd9: {  	[tilespmem:s30], [sflag:$0x1] =	stream.linear.gather [hbm4b:s10+s5], $0x50, $0x38;
	[tilespmem:$0x1E400] =	vst v63  }
0xda: {  	_ =	swait.ge [sflag:s8], $0x50  }
0xdb: {  	[sflag:s8] =	ssyncset.done $0x0  }
0xdc: {  	[sflag:s8] =	ssyncadd.s32 $0xFFFFFFB0  }
0xdd: {  	_ =	swait.ge [sflag:s8], $0x50  }
0xde: {  	[sflag:s8] =	ssyncset.done $0x0  }
0xdf: {  	[sflag:s8] =	ssyncadd.s32 $0xFFFFFFB0  }
0xe0: {  	[tilespmem:s3], [sflag:$0x5] =	stream.indirect.gather [hbm4b:s1+s9], $0x80, s5, s9, $0xb8;
	[tilespmem:$0x1E400] =	vst v63  }
0xe1: {  	_ =	swait.ge [sflag:s22], $0x2800  }
0xe2: {  	[sflag:s22] =	ssyncset.done $0x0  }
0xe3: {  	[sflag:s22] =	ssyncadd.s32 $0xFFFFD800  }
0xe4: {  	[spmem:s4] =	stream.indirect.scatter.add.f32 [tilespmem:s12], [sflag:$0x9], $0x80, s0, s9, $0xb8;
	[tilespmem:$0x1E400] =	vst v63  }
0xe5: {  	_ =	swait.ge [sflag:s7], $0x2800  }
0xe6: {  	s10 =	rddreg [dreg:$0x9];
	[sflag:s7] =	ssyncset.done $0x0  }
0xe7: {  	s25 =	rddreg [dreg:$0xa];
	[sflag:s7] =	ssyncadd.s32 $0xFFFFD800;
	s10 =	sadd.s32 s6, s10  }
0xe8: {  	[tilespmem:s31], [sflag:$0x2] =	stream.linear.gather [hbm4b:s10+s5], $0x50, $0x38;
	[tilespmem:$0x1E400] =	vst v63  }
0xe9: {  	s25 =	sadd.s32 s6, s25  }
0xea: {  	[tilespmem:s0], [sflag:$0x2] =	stream.linear.gather [hbm4b:s25+s5], $0x50, $0x38;
	[tilespmem:$0x1E400] =	vst v63  }
0xeb: {  	_ =	swait.ge [sflag:s11], $0x50  }
0xec: {  	[sflag:s11] =	ssyncset.done $0x0  }
0xed: {  	[sflag:s11] =	ssyncadd.s32 $0xFFFFFFB0  }
0xee: {  	_ =	swait.ge [sflag:s11], $0x50  }
0xef: {  	[sflag:s11] =	ssyncset.done $0x0  }
0xf0: {  	[sflag:s11] =	ssyncadd.s32 $0xFFFFFFB0  }
0xf1: {  	[tilespmem:s12], [sflag:$0x6] =	stream.indirect.gather [hbm4b:s1+s9], $0x80, s31, s9, $0xb8;
	[tilespmem:$0x1E400] =	vst v63  }
0xf2: {  	_ =	swait.ge [sflag:s23], $0x2800  }
0xf3: {  	[sflag:s23] =	ssyncset.done $0x0  }
0xf4: {  	[sflag:s23] =	ssyncadd.s32 $0xFFFFD800  }
0xf5: {  	[spmem:s4] =	stream.indirect.scatter.add.f32 [tilespmem:s18], [sflag:$0x9], $0x80, s14, s9, $0xb8;
	[tilespmem:$0x1E400] =	vst v63  }
0xf6: {  	_ =	swait.ge [sflag:s7], $0x2800  }
0xf7: {  	s10 =	rddreg [dreg:$0x7];
	[sflag:s7] =	ssyncset.done $0x0  }
0xf8: {  	s25 =	rddreg [dreg:$0x8];
	[sflag:s7] =	ssyncadd.s32 $0xFFFFD800;
	s10 =	sadd.s32 s6, s10  }
0xf9: {  	[tilespmem:s13], [sflag:$0x3] =	stream.linear.gather [hbm4b:s10+s5], $0x50, $0x38;
	[tilespmem:$0x1E400] =	vst v63  }
0xfa: {  	s25 =	sadd.s32 s6, s25  }
0xfb: {  	[tilespmem:s14], [sflag:$0x3] =	stream.linear.gather [hbm4b:s25+s5], $0x50, $0x38;
	[tilespmem:$0x1E400] =	vst v63  }
0xfc: {  	_ =	swait.ge [sflag:s17], $0x50  }
0xfd: {  	[sflag:s17] =	ssyncset.done $0x0  }
0xfe: {  	[sflag:s17] =	ssyncadd.s32 $0xFFFFFFB0  }
0xff: {  	_ =	swait.ge [sflag:s17], $0x50  }
0x100: {  	[sflag:s17] =	ssyncset.done $0x0  }
0x101: {  	[sflag:s17] =	ssyncadd.s32 $0xFFFFFFB0  }
0x102: {  	[tilespmem:s18], [sflag:$0x7] =	stream.indirect.gather [hbm4b:s1+s9], $0x80, s13, s9, $0xb8;
	[tilespmem:$0x1E400] =	vst v63  }
0x103: {  	_ =	swait.ge [sflag:s24], $0x2800  }
0x104: {  	[sflag:s24] =	ssyncset.done $0x0  }
0x105: {  	p0 =	sne.s32 s28, $0x488;
	[sflag:s24] =	ssyncadd.s32 $0xFFFFD800  }
0x106: {  	[spmem:s4] =	stream.indirect.scatter.add.f32 [tilespmem:s20], [sflag:$0x9], $0x80, s16, s9, $0xb8;
	[tilespmem:$0x1E400] =	vst v63  }
.Ltmp1:
0x107: {  	_ =	swait.ge [sflag:s7], $0x2800;
	(pc) =	sbr.rel @p0 .LBB2_4-.Ltmp1, $4  }
0x108: {  	s28 =	sadd.s32 $0x28, s28;
	s10 =	rddreg [dreg:$0x5]  }
0x109: {  	s29 =	sadd.s32 $0x140, s29;
	s25 =	rddreg [dreg:$0x6];
	[sflag:s7] =	ssyncset.done $0x0  }
0x10a: {  	[sflag:s7] =	ssyncadd.s32 $0xFFFFD800;
	s10 =	sadd.s32 s6, s10;
	s6 =	sadd.s32 s6, s25  }
0x10b: {  	[tilespmem:s15], [sflag:$0x4] =	stream.linear.gather [hbm4b:s10+s5], $0x50, $0x38;
	[tilespmem:$0x1E400] =	vst v63  }
0x10c: {  	[tilespmem:s16], [sflag:$0x4] =	stream.linear.gather [hbm4b:s6+s5], $0x50, $0x38;
	[tilespmem:$0x1E400] =	vst v63  }
0x10d: {  	_ =	swait.ge [sflag:s19], $0x50  }
0x10e: {  	[sflag:s19] =	ssyncset.done $0x0  }
0x10f: {  	[sflag:s19] =	ssyncadd.s32 $0xFFFFFFB0  }
0x110: {  	_ =	swait.ge [sflag:s19], $0x50  }
0x111: {  	[sflag:s19] =	ssyncset.done $0x0  }
0x112: {  	[sflag:s19] =	ssyncadd.s32 $0xFFFFFFB0  }
0x113: {  	[tilespmem:s20], [sflag:$0x8] =	stream.indirect.gather [hbm4b:s1+s9], $0x80, s15, s9, $0xb8;
	[tilespmem:$0x1E400] =	vst v63  }
0x114: {  	_ =	swait.ge [sflag:s21], $0x2800  }
0x115: {  	[sflag:s21] =	ssyncset.done $0x0  }
0x116: {  	[sflag:s21] =	ssyncadd.s32 $0xFFFFD800  }
0x117: {  	[spmem:s4] =	stream.indirect.scatter.add.f32 [tilespmem:s3], [sflag:$0x9], $0x80, s30, s9, $0xb8;
	[tilespmem:$0x1E400] =	vst v63  }
0x118: {  	_ =	swait.ge [sflag:s7], $0x2800  }
0x119: {  	s28 =	sld [smem:$0x7FC]  }
0x11a: {  	[sflag:s7] =	ssyncset.done $0x0  }
0x11b: {  	s29 =	sld [smem:$0x7FD];
	[sflag:s7] =	ssyncadd.s32 $0xFFFFD800  }
0x11c: {  	[tilespmem:s5], [sflag:$0x1] =	stream.linear.gather [hbm4b:s28+s5], $0x50, $0x38;
	[tilespmem:$0x1E400] =	vst v63  }
0x11d: {  	_ = 	snop  }
0x11e: {  	[tilespmem:s30], [sflag:$0x1] =	stream.linear.gather [hbm4b:s29+s5], $0x50, $0x38;
	[tilespmem:$0x1E400] =	vst v63  }
0x11f: {  	_ =	swait.ge [sflag:s8], $0x50  }
0x120: {  	[sflag:s8] =	ssyncset.done $0x0  }
0x121: {  	[sflag:s8] =	ssyncadd.s32 $0xFFFFFFB0  }
0x122: {  	_ =	swait.ge [sflag:s8], $0x50  }
0x123: {  	[sflag:s8] =	ssyncset.done $0x0  }
0x124: {  	[sflag:s8] =	ssyncadd.s32 $0xFFFFFFB0  }
0x125: {  	[tilespmem:s3], [sflag:$0x5] =	stream.indirect.gather [hbm4b:s1+s9], $0x80, s5, s9, $0xb8;
	[tilespmem:$0x1E400] =	vst v63  }
0x126: {  	_ =	swait.ge [sflag:s22], $0x2800  }
0x127: {  	[sflag:s22] =	ssyncset.done $0x0  }
0x128: {  	[sflag:s22] =	ssyncadd.s32 $0xFFFFD800  }
0x129: {  	[spmem:s4] =	stream.indirect.scatter.add.f32 [tilespmem:s12], [sflag:$0x9], $0x80, s0, s9, $0xb8;
	[tilespmem:$0x1E400] =	vst v63  }
0x12a: {  	_ =	swait.ge [sflag:s7], $0x2800  }
0x12b: {  	[sflag:s7] =	ssyncset.done $0x0  }
0x12c: {  	s10 =	rddreg [dreg:$0x1b];
	[sflag:s7] =	ssyncadd.s32 $0xFFFFD800  }
0x12d: {  	[tilespmem:s31], [sflag:$0x2] =	stream.linear.gather [hbm4b:s10+s5], $0x50, $0x38;
	[tilespmem:$0x1E400] =	vst v63  }
0x12e: {  	s25 =	rddreg [dreg:$0x1c]  }
0x12f: {  	[tilespmem:s0], [sflag:$0x2] =	stream.linear.gather [hbm4b:s25+s5], $0x50, $0x38;
	[tilespmem:$0x1E400] =	vst v63  }
0x130: {  	_ =	swait.ge [sflag:s23], $0x2800  }
0x131: {  	[sflag:s23] =	ssyncset.done $0x0  }
0x132: {  	[sflag:s23] =	ssyncadd.s32 $0xFFFFD800  }
0x133: {  	[spmem:s4] =	stream.indirect.scatter.add.f32 [tilespmem:s18], [sflag:$0x9], $0x80, s14, s9, $0xb8;
	[tilespmem:$0x1E400] =	vst v63  }
0x134: {  	_ =	swait.ge [sflag:s7], $0x2800  }
0x135: {  	[sflag:s7] =	ssyncset.done $0x0  }
0x136: {  	[sflag:s7] =	ssyncadd.s32 $0xFFFFD800  }
0x137: {  	_ =	swait.ge [sflag:s24], $0x2800  }
0x138: {  	[sflag:s24] =	ssyncset.done $0x0  }
0x139: {  	[sflag:s24] =	ssyncadd.s32 $0xFFFFD800  }
0x13a: {  	[spmem:s4] =	stream.indirect.scatter.add.f32 [tilespmem:s20], [sflag:$0x9], $0x80, s16, s9, $0xb8;
	[tilespmem:$0x1E400] =	vst v63  }
0x13b: {  	_ =	swait.ge [sflag:s7], $0x2800  }
0x13c: {  	[sflag:s7] =	ssyncset.done $0x0  }
0x13d: {  	[sflag:s7] =	ssyncadd.s32 $0xFFFFD800  }
0x13e: {  	_ =	swait.ge [sflag:s21], $0x2800  }
0x13f: {  	[sflag:s21] =	ssyncset.done $0x0  }
0x140: {  	[sflag:s21] =	ssyncadd.s32 $0xFFFFD800  }
0x141: {  	[spmem:s4] =	stream.indirect.scatter.add.f32 [tilespmem:s3], [sflag:$0x9], $0x80, s30, s9, $0xb8;
	[tilespmem:$0x1E400] =	vst v63  }
0x142: {  	_ =	swait.ge [sflag:s7], $0x2800  }
0x143: {  	[sflag:s7] =	ssyncset.done $0x0  }
0x144: {  	[sflag:s7] =	ssyncadd.s32 $0xFFFFD800  }
0x145: {  	_ =	swait.ge [sflag:s11], $0x50  }
0x146: {  	[sflag:s11] =	ssyncset.done $0x0  }
0x147: {  	[sflag:s11] =	ssyncadd.s32 $0xFFFFFFB0  }
0x148: {  	_ =	swait.ge [sflag:s11], $0x50  }
0x149: {  	[sflag:s11] =	ssyncset.done $0x0  }
0x14a: {  	[sflag:s11] =	ssyncadd.s32 $0xFFFFFFB0  }
0x14b: {  	s28 =	stileid.u32;
	[bflag:$0x0] =	sbarrier.arrive $0xFFFF  }
0x14c: {  	s6 =	sshll.u32 s28, $0x6;
	s25 =	rddreg [dreg:$0x10]  }
0x14d: {  	s6 =	sor.u32 $0x1C09, s6;
	s28 =	rddreg [dreg:$0x1d];
	s10 =	sshrl.u32 s25, $0x3  }
0x14e: {  	[hbm:s28], [sflag:s6] =	dma.local [spmem:s10], $0x2800  }
0x14f: {  	_ =	swait.ge [sflag:s7], $0x2800  }
0x150: {  	s26 =	sadd.s32 $0x1, s26;
	s29 =	rddreg [dreg:$0x1e]  }
0x151: {  	p0 =	sne.s32 s26, s29  }
.Ltmp2:
0x152: {  	_ = 	snop;
	(pc) =	sbr.rel @p0 .LBB2_1-.Ltmp2, $3  }
0x153: {  	_ =	sdelay $0x1  }
0x154: {  	[sflag:s7] =	ssyncset.done $0x0  }
0x155: {  	[sflag:s7] =	ssyncadd.s32 $0xFFFFD800  }
0x156: {  	_ =	sfence.sel $0x180000  }
0x157: {  	[bflag:$0x0] =	sbarrier.arrive $0xFFFF  }
0x158: {  	_ =	strace $0x90000047  }
0x159: {  	s0 =	stileid.u32;
	[bflag:$0x2] =	sbarrier.arrive $0xFFFF  }
0x15a: {  	p0 =	sne.s32 s0, $0x0;
	s0 =	rddreg [dreg:$0x4]  }
0x15b: {  	s0 =	sadd.s32 @!p0 $0x100000, s0  }
0x15c: {  	[sflag:s0] =	ssyncadd.tile.s32 @!p0 $0x1;
	_ =	shalt  }
.Lfunc_end2:
_tile_overlayer_lowered:
.L_overlay_start_2:
0x15d: {  	(tag) =	ssettag $0x2  }
0x15e: {  	s0 =	rddreg [dreg:$0x0];
	s2 =	stileid.u32  }
0x15f: {  	s1 =	rddreg [dreg:$0x1];
	p0 =	sne.s32 s2, $0x0  }
0x160: {  	s3 =	rddreg [dreg:$0x2];
	[bflag:$0x3] =	sbarrier.arrive $0xFFFF;
	s2 =	simm.s32 @!p0 $0x1C09  }
0x161: {  	[timem:s3], [sflag:s2] =	dma.local @!p0 [hbm:s0], s1  }
0x162: {  	s0 =	simm.s32 @!p0 $0x9  }
0x163: {  	_ =	swait.ge @!p0 [sflag:s0], s1  }
0x164: {  	s1 =	ssub.s32 @!p0 $0x0, s1;
	[sflag:s0] =	ssyncset.done @!p0 $0x0  }
0x165: {  	[sflag:s0] =	ssyncadd.s32 @!p0 s1  }
0x166: {  	[bflag:$0x3] =	sbarrier.arrive $0xFFFF  }
0x167: {  	_ =	shalt  }

</sc_bundles>
